<compile_context>
chip_gen: v7x
topology: tpu7x:2x2x1
jax: 0.10.2.dev20260603
libtpu: 0.0.44.dev20260713+nightly
codegen_flags: <defaults>
</compile_context>

<pallas_src>
import functools

import jax
import jax.numpy as jnp
from jax import lax
from jax.experimental import pallas as pl
from jax.experimental.pallas import tpu as pltpu
from jax.experimental.pallas import tpu_sc as plsc

N_NODES = 10000
N_EDGES = 320000
CH = 128
N_GRAPHS = 64
N_CLASSES = 10

NC, NS = 2, 16
NW = NC * NS
WIN = 112
NWIN = 90
DEG_GRP = 10
EPAD = NW * NWIN * WIN
NROWS = EPAD // WIN
NPAD = 10240
ROWS_PER_TILE = NPAD // NS

BLK = 1024
GRID = NPAD // BLK

f32 = jnp.float32


@functools.cache
def _build_sc_kernels():
    mesh = plsc.VectorSubcoreMesh(core_axis_name="c", subcore_axis_name="s",
                                  num_cores=NC, num_subcores=NS)

    @functools.partial(
        pl.kernel,
        out_type=jax.ShapeDtypeStruct((NC, NPAD), f32),
        mesh=mesh,
        scratch_types=[
            pltpu.VMEM((NWIN, 2, WIN), jnp.int32),
            pltpu.VMEM((WIN,), f32),
            pltpu.VMEM_SHARED((NPAD,), f32),
            pltpu.SemaphoreType.DMA,
        ],
    )
    def _sc_degree(eidx_hbm, init_hbm, out_hbm, dst_v, ones_v, deg_sh, sem):
        c = lax.axis_index("c")
        s = lax.axis_index("s")
        wid = s * NC + c
        pltpu.sync_copy(eidx_hbm.at[pl.ds(wid * NWIN, NWIN)], dst_v)
        for i in range(WIN // 16):
            ones_v[pl.ds(i * 16, 16)] = jnp.full((16,), 1.0, f32)
        base = s * ROWS_PER_TILE
        pltpu.sync_copy(init_hbm.at[c, pl.ds(base, ROWS_PER_TILE)],
                        deg_sh.at[pl.ds(base, ROWS_PER_TILE)])
        plsc.subcore_barrier()

        def scat(j):
            return pltpu.make_async_copy(ones_v, deg_sh.at[dst_v.at[j, 1]],
                                         sem)

        def body(g, carry):
            for i in range(DEG_GRP):
                scat(g * DEG_GRP + i).start(add=True)
            for i in range(DEG_GRP):
                scat(g * DEG_GRP + i).wait()
            return carry

        lax.fori_loop(0, NWIN // DEG_GRP, body, 0)
        plsc.subcore_barrier()
        pltpu.sync_copy(deg_sh.at[pl.ds(base, ROWS_PER_TILE)],
                        out_hbm.at[c, pl.ds(base, ROWS_PER_TILE)])

    @functools.partial(
        pl.kernel,
        out_type=jax.ShapeDtypeStruct((NC, NPAD, CH), f32),
        mesh=mesh,
        scratch_types=[
            pltpu.VMEM((5, 2, WIN), jnp.int32),
            pltpu.VMEM((3, WIN, CH), f32),
            pltpu.VMEM_SHARED((NPAD, CH), f32),
            pltpu.SemaphoreType.DMA,
            pltpu.SemaphoreType.DMA,
            pltpu.SemaphoreType.DMA,
        ],
    )
    def _sc_spmm(eidx_hbm, yw_hbm, out_hbm, idx_v, rows_v, acc_sh,
                 isem, gsem, ssem):
        c = lax.axis_index("c")
        s = lax.axis_index("s")
        wid = s * NC + c
        row0 = wid * NWIN
        base = s * ROWS_PER_TILE

        def idx_copy(j):
            return pltpu.make_async_copy(eidx_hbm.at[row0 + j],
                                         idx_v.at[j % 5], isem)

        def gather(j):
            return pltpu.make_async_copy(yw_hbm.at[idx_v.at[j % 5, 0]],
                                         rows_v.at[j % 3], gsem)

        def scatter(j):
            return pltpu.make_async_copy(rows_v.at[j % 3],
                                         acc_sh.at[idx_v.at[j % 5, 1]], ssem)

        idx_copy(0).start()
        idx_copy(1).start()
        pltpu.sync_copy(yw_hbm.at[pl.ds(base, ROWS_PER_TILE)],
                        acc_sh.at[pl.ds(base, ROWS_PER_TILE)])
        plsc.subcore_barrier()
        idx_copy(0).wait()
        gather(0).start()

        def body(j, carry):
            @pl.when(j >= 2)
            def _():
                scatter(j - 2).wait()

            @pl.when(j + 2 < NWIN)
            def _():
                idx_copy(j + 2).start()

            @pl.when(j + 1 < NWIN)
            def _():
                idx_copy(j + 1).wait()
                gather(j + 1).start()

            gather(j).wait()
            scatter(j).start(add=True)
            return carry

        lax.fori_loop(0, NWIN, body, 0)

        @pl.when(NWIN >= 2)
        def _():
            scatter(NWIN - 2).wait()

        scatter(NWIN - 1).wait()
        plsc.subcore_barrier()
        pltpu.sync_copy(acc_sh.at[pl.ds(base, ROWS_PER_TILE)],
                        out_hbm.at[c, pl.ds(base, ROWS_PER_TILE)])

    return _sc_degree, _sc_spmm


def _tc1_body(deg_ref, x_ref, w1_ref, yw_ref, dinv_ref):
    deg = deg_ref[0] + deg_ref[1]
    dinv = jnp.where(deg > 0, lax.rsqrt(deg), 0.0)
    dinv_ref[...] = dinv
    xw = jnp.dot(x_ref[...], w1_ref[...], preferred_element_type=f32)
    yw_ref[...] = dinv * xw


_tc1 = pl.pallas_call(
    _tc1_body,
    grid=(GRID,),
    in_specs=[
        pl.BlockSpec((NC, BLK, 1), lambda i: (0, i, 0)),
        pl.BlockSpec((BLK, CH), lambda i: (i, 0)),
        pl.BlockSpec((CH, CH), lambda i: (0, 0)),
    ],
    out_specs=[
        pl.BlockSpec((BLK, CH), lambda i: (i, 0)),
        pl.BlockSpec((BLK, 1), lambda i: (i, 0)),
    ],
    out_shape=[
        jax.ShapeDtypeStruct((NPAD, CH), f32),
        jax.ShapeDtypeStruct((NPAD, 1), f32),
    ],
)


def _tc2_body(acc_ref, yw_ref, dinv_ref, b1_ref, w2_ref, out_ref):
    dinv = dinv_ref[...]
    h = dinv * (acc_ref[0] + acc_ref[1] - yw_ref[...]) + b1_ref[...]
    h = jnp.where(h > 0, h, 0.01 * h)
    hw = jnp.dot(h, w2_ref[...], preferred_element_type=f32)
    out_ref[...] = dinv * hw


_tc2 = pl.pallas_call(
    _tc2_body,
    grid=(GRID,),
    in_specs=[
        pl.BlockSpec((NC, BLK, CH), lambda i: (0, i, 0)),
        pl.BlockSpec((BLK, CH), lambda i: (i, 0)),
        pl.BlockSpec((BLK, 1), lambda i: (i, 0)),
        pl.BlockSpec((1, CH), lambda i: (0, 0)),
        pl.BlockSpec((CH, CH), lambda i: (0, 0)),
    ],
    out_specs=pl.BlockSpec((BLK, CH), lambda i: (i, 0)),
    out_shape=jax.ShapeDtypeStruct((NPAD, CH), f32),
)


def _tc3_body(acc_ref, yw_ref, dinv_ref, b2_ref, batch_ref, w3_ref, b3_ref,
              w4_ref, b4_ref, w5_ref, b5_ref, out_ref, sums_scr, cnts_scr):
    i = pl.program_id(0)
    dinv = dinv_ref[...]
    h = dinv * (acc_ref[0] + acc_ref[1] - yw_ref[...]) + b2_ref[...]
    h = jnp.where(h > 0, h, 0.01 * h)
    gids = lax.broadcasted_iota(jnp.int32, (BLK, N_GRAPHS), 1)
    mask = (batch_ref[...] == gids).astype(f32)
    dn = (((0,), (0,)), ((), ()))
    s_step = lax.dot_general(mask, h, dn, preferred_element_type=f32)
    ones = jnp.ones((BLK, CH), f32)
    c_step = lax.dot_general(mask, ones, dn, preferred_element_type=f32)

    @pl.when(i == 0)
    def _():
        sums_scr[...] = s_step
        cnts_scr[...] = c_step

    @pl.when(i > 0)
    def _():
        sums_scr[...] += s_step
        cnts_scr[...] += c_step

    @pl.when(i == GRID - 1)
    def _():
        g = sums_scr[...] / jnp.maximum(cnts_scr[...], 1.0)
        g = jnp.dot(g, w3_ref[...], preferred_element_type=f32) + b3_ref[...]
        g = jnp.where(g > 0, g, 0.01 * g)
        g = jnp.dot(g, w4_ref[...], preferred_element_type=f32) + b4_ref[...]
        g = jnp.where(g > 0, g, 0.01 * g)
        out_ref[...] = jnp.dot(g, w5_ref[...], preferred_element_type=f32) + b5_ref[...]


_tc3 = pl.pallas_call(
    _tc3_body,
    grid=(GRID,),
    in_specs=[
        pl.BlockSpec((NC, BLK, CH), lambda i: (0, i, 0)),
        pl.BlockSpec((BLK, CH), lambda i: (i, 0)),
        pl.BlockSpec((BLK, 1), lambda i: (i, 0)),
        pl.BlockSpec((1, CH), lambda i: (0, 0)),
        pl.BlockSpec((BLK, 1), lambda i: (i, 0)),
        pl.BlockSpec((CH, CH), lambda i: (0, 0)),
        pl.BlockSpec((1, CH), lambda i: (0, 0)),
        pl.BlockSpec((CH, CH), lambda i: (0, 0)),
        pl.BlockSpec((1, CH), lambda i: (0, 0)),
        pl.BlockSpec((CH, CH), lambda i: (0, 0)),
        pl.BlockSpec((1, CH), lambda i: (0, 0)),
    ],
    out_specs=pl.BlockSpec((N_GRAPHS, CH), lambda i: (0, 0)),
    out_shape=jax.ShapeDtypeStruct((N_GRAPHS, CH), f32),
    scratch_shapes=[
        pltpu.VMEM((N_GRAPHS, CH), f32),
        pltpu.VMEM((N_GRAPHS, CH), f32),
    ],
)


def kernel(x, edge_index, batch, W1, b1, W2, b2, W3, b3, W4, b4, W5, b5):
    pad = EPAD - N_EDGES
    pad_idx = N_NODES + (jnp.arange(pad, dtype=jnp.int32) % 16)
    src_w = jnp.concatenate([edge_index[0], pad_idx]).reshape(NROWS, WIN)
    dst_w = jnp.concatenate([edge_index[1], pad_idx]).reshape(NROWS, WIN)
    eidx = jnp.stack([src_w, dst_w], axis=1)
    del src_w, dst_w
    x_pad = jnp.pad(x, ((0, NPAD - N_NODES), (0, 0)))
    batch_pad = jnp.pad(batch, (0, NPAD - N_NODES),
                        constant_values=N_GRAPHS).reshape(NPAD, 1)
    init0 = (jnp.arange(NPAD) < N_NODES).astype(f32)
    deg_init = jnp.stack([init0, jnp.zeros_like(init0)])
    W3p = jnp.pad(W3, ((0, 0), (0, 64)))
    W4p = jnp.pad(W4, ((0, 64), (0, 64)))
    W5p = jnp.pad(W5, ((0, 64), (0, CH - N_CLASSES)))
    b1r = b1.reshape(1, CH)
    b2r = b2.reshape(1, CH)
    b3p = jnp.pad(b3, (0, 64)).reshape(1, CH)
    b4p = jnp.pad(b4, (0, 64)).reshape(1, CH)
    b5p = jnp.pad(b5, (0, CH - N_CLASSES)).reshape(1, CH)

    _sc_degree, _sc_spmm = _build_sc_kernels()
    degs = _sc_degree(eidx, deg_init)
    yw1, dinv = _tc1(degs.reshape(NC, NPAD, 1), x_pad, W1)
    acc1 = _sc_spmm(eidx, yw1)
    yw2 = _tc2(acc1, yw1, dinv, b1r, W2)
    acc2 = _sc_spmm(eidx, yw2)
    out = _tc3(acc2, yw2, dinv, b2r, batch_pad,
               W3p, b3p, W4p, b4p, W5p, b5p)
    return out[:, :N_CLASSES]

# --- scband reference (transcript-rebuilt; emitter-appended) ---
"""Pipeline reference for scband-gcn-31568009625965 (READ-ONLY COPY).

The authoritative reference and input builder live on the scoring server;
editing this copy changes nothing except your own understanding.
"""

import jax, jax.numpy as jnp
import numpy as np

NUM_NODES = 10000
NUM_EDGES = 320000
IN_CH = 128
HID = 128
NUM_CLASSES = 10
NUM_GRAPHS = 64


def setup_inputs(seed: int = 0) -> dict:
    key = jax.random.key(seed)
    ks = jax.random.split(key, 16)
    x = jax.random.normal(ks[0], (NUM_NODES, IN_CH), dtype=jnp.float32)
    edge_index = jax.random.randint(ks[1], (2, NUM_EDGES), 0, NUM_NODES, dtype=jnp.int32)
    batch = jnp.sort(jax.random.randint(ks[2], (NUM_NODES,), 0, NUM_GRAPHS, dtype=jnp.int32))
    def lin_init(k, fan_in, fan_out):
        k1, k2 = jax.random.split(k)
        bound = 1.0 / np.sqrt(fan_in)
        W = jax.random.uniform(k1, (fan_in, fan_out), minval=-bound, maxval=bound, dtype=jnp.float32)
        b = jax.random.uniform(k2, (fan_out,), minval=-bound, maxval=bound, dtype=jnp.float32)
        return W, b
    W1, b1 = lin_init(ks[3], IN_CH, HID)      # conv1
    W2, b2 = lin_init(ks[4], HID, HID)        # conv2
    W3, b3 = lin_init(ks[5], HID, HID // 2)   # lin
    W4, b4 = lin_init(ks[6], HID // 2, HID // 2)  # lin2
    W5, b5 = lin_init(ks[7], HID // 2, NUM_CLASSES)  # lin3
    return {"x": x, "edge_index": edge_index, "batch": batch,
            "W1": W1, "b1": b1, "W2": W2, "b2": b2,
            "W3": W3, "b3": b3, "W4": W4, "b4": b4,
            "W5": W5, "b5": b5}


def gcn_conv(x, edge_index, W, b):
    n = x.shape[0]
    loop = jnp.arange(n, dtype=edge_index.dtype)
    src = jnp.concatenate([edge_index[0], loop])
    dst = jnp.concatenate([edge_index[1], loop])
    # symmetric normalization (PyG GCNConv with add_self_loops=True)
    deg = jnp.zeros((n,), dtype=x.dtype).at[dst].add(1.0)
    deg_inv_sqrt = jnp.where(deg > 0, jax.lax.rsqrt(deg), 0.0)
    norm = deg_inv_sqrt[src] * deg_inv_sqrt[dst]
    xw = x @ W
    msgs = xw[src] * norm[:, None]
    out = jnp.zeros_like(xw).at[dst].add(msgs)
    return out + b


def global_mean_pool(x, batch, num_graphs):
    sums = jax.ops.segment_sum(x, batch, num_segments=num_graphs)
    cnts = jax.ops.segment_sum(jnp.ones((x.shape[0],), dtype=x.dtype), batch, num_segments=num_graphs)
    return sums / jnp.clip(cnts, 1.0)[:, None]


def reference(x, edge_index, batch, W1, b1, W2, b2, W3, b3, W4, b4, W5, b5):
    h = gcn_conv(x, edge_index, W1, b1)
    h = jax.nn.leaky_relu(h, negative_slope=0.01)
    h = gcn_conv(h, edge_index, W2, b2)
    h = jax.nn.leaky_relu(h, negative_slope=0.01)
    g = global_mean_pool(h, batch, NUM_GRAPHS)
    g = jax.nn.leaky_relu(g @ W3 + b3, negative_slope=0.01)
    g = jax.nn.leaky_relu(g @ W4 + b4, negative_slope=0.01)
    g = g @ W5 + b5
    return g

if __name__ == "__main__":
    import jax
    _d = setup_inputs()
    print(jax.jit(kernel)(*tuple(_d.values())))

</pallas_src>

<mosaic_0001>
#map = affine_map<(d0, d1) -> (0, 0, 0)>
#map1 = affine_map<(d0, d1) -> (0, 0)>
module attributes {stable_mosaic.version = 14 : i64} {
  func.func @_sc_degree(%arg0: i32, %arg1: i32, %arg2: memref<2880x2x112xi32, #tpu.memory_space<hbm>>, %arg3: memref<2x10240xf32, #tpu.memory_space<hbm>>, %arg4: memref<2x10240xf32, #tpu.memory_space<hbm>>, %arg5: memref<90x2x112xi32, #tpu.memory_space<vmem>>, %arg6: memref<112xf32, #tpu.memory_space<vmem>>, %arg7: memref<10240xf32, #tpu.memory_space<vmem_shared>>, %arg8: memref<!tpu.dma_semaphore, #tpu.memory_space<semaphore_mem>>) attributes {dimension_semantics = [#tpu.dimension_semantics<core_parallel>, #tpu.dimension_semantics<subcore_parallel>], iteration_bounds = array<i64: 2, 16>, scalar_prefetch = 0 : i64, scratch_operands = 4 : i64, tpu.core_type = #tpu.core_type<sc_vector_subcore>, window_params = [{transform_indices = #map}, {transform_indices = #map1}, {transform_indices = #map1}]} {
    %mul3A = arith.constant 2 : i32
    %mul3A_0 = arith.muli %arg1, %mul3A : i32
    %add3A = arith.addi %mul3A_0, %arg0 : i32
    %mul3A_1 = arith.constant 90 : i32
    %mul3A_2 = arith.muli %add3A, %mul3A_1 : i32
    "tpu.region"() ({
      %run_scoped3A = tpu.sem_alloc : memref<!tpu.dma_semaphore, #tpu.memory_space<semaphore_mem>>
      %dma_start3A = arith.constant 0 : i32
      %dma_start3A_51 = arith.constant 0 : i32
      %dma_start3A_52 = tpu.memref_slice %arg2[%mul3A_2, %dma_start3A, %dma_start3A_51] : memref<2880x2x112xi32, #tpu.memory_space<hbm>> -> memref<90x2x112xi32, #tpu.memory_space<hbm>>
      %dma_start3A_53 = arith.constant 0 : i32
      %dma_start3A_54 = arith.constant 0 : i32
      %dma_start3A_55 = tpu.memref_slice %arg2[%mul3A_2, %dma_start3A_53, %dma_start3A_54] : memref<2880x2x112xi32, #tpu.memory_space<hbm>> -> memref<90x2x112xi32, #tpu.memory_space<hbm>>
      tpu.enqueue_dma source(%dma_start3A_55 : memref<90x2x112xi32, #tpu.memory_space<hbm>>) target(%arg5 : memref<90x2x112xi32, #tpu.memory_space<vmem>>) target_semaphore(%run_scoped3A : memref<!tpu.dma_semaphore, #tpu.memory_space<semaphore_mem>>)
      %dma_wait3A = arith.constant 0 : i32
      %dma_wait3A_56 = arith.constant 0 : i32
      %dma_wait3A_57 = tpu.memref_slice %arg2[%mul3A_2, %dma_wait3A, %dma_wait3A_56] : memref<2880x2x112xi32, #tpu.memory_space<hbm>> -> memref<90x2x112xi32, #tpu.memory_space<hbm>>
      %dma_wait3A_58 = arith.constant 0 : i32
      %dma_wait3A_59 = arith.constant 0 : i32
      %dma_wait3A_60 = tpu.memref_slice %arg2[%mul3A_2, %dma_wait3A_58, %dma_wait3A_59] : memref<2880x2x112xi32, #tpu.memory_space<hbm>> -> memref<90x2x112xi32, #tpu.memory_space<hbm>>
      tpu.wait_dma2 semaphore(%run_scoped3A : memref<!tpu.dma_semaphore, #tpu.memory_space<semaphore_mem>>) src(%dma_wait3A_60 : memref<90x2x112xi32, #tpu.memory_space<hbm>>) dst(%arg5 : memref<90x2x112xi32, #tpu.memory_space<vmem>>)
      tpu.yield
    }) : () -> ()
    %broadcast_in_dim3A = arith.constant 1.000000e+00 : f32
    %broadcast_in_dim3A_3 = vector.broadcast %broadcast_in_dim3A : f32 to vector<16xf32>
    %swap3A = arith.constant 0 : index
    %swap3A_4 = tpu.vector_load %arg6[%swap3A] {strides = array<i32>} : memref<112xf32, #tpu.memory_space<vmem>>, vector<16xf32>,
    %swap3A_5 = vector.shape_cast %swap3A_4 : vector<16xf32> to vector<16xf32>
    %swap3A_6 = vector.shape_cast %broadcast_in_dim3A_3 : vector<16xf32> to vector<16xf32>
    tpu.vector_store %arg6[%swap3A], %swap3A_6 {strides = array<i32>} : memref<112xf32, #tpu.memory_space<vmem>>, vector<16xf32>,
    %broadcast_in_dim3A_7 = arith.constant 1.000000e+00 : f32
    %broadcast_in_dim3A_8 = vector.broadcast %broadcast_in_dim3A_7 : f32 to vector<16xf32>
    %swap3A_9 = arith.constant 16 : index
    %swap3A_10 = tpu.vector_load %arg6[%swap3A_9] {strides = array<i32>} : memref<112xf32, #tpu.memory_space<vmem>>, vector<16xf32>,
    %swap3A_11 = vector.shape_cast %swap3A_10 : vector<16xf32> to vector<16xf32>
    %swap3A_12 = vector.shape_cast %broadcast_in_dim3A_8 : vector<16xf32> to vector<16xf32>
    tpu.vector_store %arg6[%swap3A_9], %swap3A_12 {strides = array<i32>} : memref<112xf32, #tpu.memory_space<vmem>>, vector<16xf32>,
    %broadcast_in_dim3A_13 = arith.constant 1.000000e+00 : f32
    %broadcast_in_dim3A_14 = vector.broadcast %broadcast_in_dim3A_13 : f32 to vector<16xf32>
    %swap3A_15 = arith.constant 32 : index
    %swap3A_16 = tpu.vector_load %arg6[%swap3A_15] {strides = array<i32>} : memref<112xf32, #tpu.memory_space<vmem>>, vector<16xf32>,
    %swap3A_17 = vector.shape_cast %swap3A_16 : vector<16xf32> to vector<16xf32>
    %swap3A_18 = vector.shape_cast %broadcast_in_dim3A_14 : vector<16xf32> to vector<16xf32>
    tpu.vector_store %arg6[%swap3A_15], %swap3A_18 {strides = array<i32>} : memref<112xf32, #tpu.memory_space<vmem>>, vector<16xf32>,
    %broadcast_in_dim3A_19 = arith.constant 1.000000e+00 : f32
    %broadcast_in_dim3A_20 = vector.broadcast %broadcast_in_dim3A_19 : f32 to vector<16xf32>
    %swap3A_21 = arith.constant 48 : index
    %swap3A_22 = tpu.vector_load %arg6[%swap3A_21] {strides = array<i32>} : memref<112xf32, #tpu.memory_space<vmem>>, vector<16xf32>,
    %swap3A_23 = vector.shape_cast %swap3A_22 : vector<16xf32> to vector<16xf32>
    %swap3A_24 = vector.shape_cast %broadcast_in_dim3A_20 : vector<16xf32> to vector<16xf32>
    tpu.vector_store %arg6[%swap3A_21], %swap3A_24 {strides = array<i32>} : memref<112xf32, #tpu.memory_space<vmem>>, vector<16xf32>,
    %broadcast_in_dim3A_25 = arith.constant 1.000000e+00 : f32
    %broadcast_in_dim3A_26 = vector.broadcast %broadcast_in_dim3A_25 : f32 to vector<16xf32>
    %swap3A_27 = arith.constant 64 : index
    %swap3A_28 = tpu.vector_load %arg6[%swap3A_27] {strides = array<i32>} : memref<112xf32, #tpu.memory_space<vmem>>, vector<16xf32>,
    %swap3A_29 = vector.shape_cast %swap3A_28 : vector<16xf32> to vector<16xf32>
    %swap3A_30 = vector.shape_cast %broadcast_in_dim3A_26 : vector<16xf32> to vector<16xf32>
    tpu.vector_store %arg6[%swap3A_27], %swap3A_30 {strides = array<i32>} : memref<112xf32, #tpu.memory_space<vmem>>, vector<16xf32>,
    %broadcast_in_dim3A_31 = arith.constant 1.000000e+00 : f32
    %broadcast_in_dim3A_32 = vector.broadcast %broadcast_in_dim3A_31 : f32 to vector<16xf32>
    %swap3A_33 = arith.constant 80 : index
    %swap3A_34 = tpu.vector_load %arg6[%swap3A_33] {strides = array<i32>} : memref<112xf32, #tpu.memory_space<vmem>>, vector<16xf32>,
    %swap3A_35 = vector.shape_cast %swap3A_34 : vector<16xf32> to vector<16xf32>
    %swap3A_36 = vector.shape_cast %broadcast_in_dim3A_32 : vector<16xf32> to vector<16xf32>
    tpu.vector_store %arg6[%swap3A_33], %swap3A_36 {strides = array<i32>} : memref<112xf32, #tpu.memory_space<vmem>>, vector<16xf32>,
    %broadcast_in_dim3A_37 = arith.constant 1.000000e+00 : f32
    %broadcast_in_dim3A_38 = vector.broadcast %broadcast_in_dim3A_37 : f32 to vector<16xf32>
    %swap3A_39 = arith.constant 96 : index
    %swap3A_40 = tpu.vector_load %arg6[%swap3A_39] {strides = array<i32>} : memref<112xf32, #tpu.memory_space<vmem>>, vector<16xf32>,
    %swap3A_41 = vector.shape_cast %swap3A_40 : vector<16xf32> to vector<16xf32>
    %swap3A_42 = vector.shape_cast %broadcast_in_dim3A_38 : vector<16xf32> to vector<16xf32>
    tpu.vector_store %arg6[%swap3A_39], %swap3A_42 {strides = array<i32>} : memref<112xf32, #tpu.memory_space<vmem>>, vector<16xf32>,
    %mul3A_43 = arith.constant 640 : i32
    %mul3A_44 = arith.muli %arg1, %mul3A_43 : i32
    "tpu.region"() ({
      %run_scoped3A = tpu.sem_alloc : memref<!tpu.dma_semaphore, #tpu.memory_space<semaphore_mem>>
      %dma_start3A = tpu.memref_slice %arg7[%mul3A_44] : memref<10240xf32, #tpu.memory_space<vmem_shared>> -> memref<640xf32, #tpu.memory_space<vmem_shared>>
      %dma_start3A_51 = tpu.memref_slice %arg3[%arg0, %mul3A_44] : memref<2x10240xf32, #tpu.memory_space<hbm>> -> memref<1x640xf32, #tpu.memory_space<hbm>>
      %dma_start3A_52 = tpu.memref_squeeze %dma_start3A_51 : memref<1x640xf32, #tpu.memory_space<hbm>> -> memref<640xf32, #tpu.memory_space<hbm>>
      tpu.enqueue_dma source(%dma_start3A_52 : memref<640xf32, #tpu.memory_space<hbm>>) target(%dma_start3A : memref<640xf32, #tpu.memory_space<vmem_shared>>) target_semaphore(%run_scoped3A : memref<!tpu.dma_semaphore, #tpu.memory_space<semaphore_mem>>)
      %dma_wait3A = tpu.memref_slice %arg7[%mul3A_44] : memref<10240xf32, #tpu.memory_space<vmem_shared>> -> memref<640xf32, #tpu.memory_space<vmem_shared>>
      %dma_wait3A_53 = tpu.memref_slice %arg3[%arg0, %mul3A_44] : memref<2x10240xf32, #tpu.memory_space<hbm>> -> memref<1x640xf32, #tpu.memory_space<hbm>>
      %dma_wait3A_54 = tpu.memref_squeeze %dma_wait3A_53 : memref<1x640xf32, #tpu.memory_space<hbm>> -> memref<640xf32, #tpu.memory_space<hbm>>
      tpu.wait_dma2 semaphore(%run_scoped3A : memref<!tpu.dma_semaphore, #tpu.memory_space<semaphore_mem>>) src(%dma_wait3A_54 : memref<640xf32, #tpu.memory_space<hbm>>) dst(%dma_wait3A : memref<640xf32, #tpu.memory_space<vmem_shared>>)
      tpu.yield
    }) : () -> ()
    %barrier3A = arith.constant 0 : index
    tpu.barrier barrier_id(%barrier3A)
    %scan3A = arith.constant 0 : i32
    %scan3A_45 = arith.constant 0 : i32
    %scan3A_46 = arith.constant 9 : i32
    %scan3A_47 = arith.addi %scan3A_45, %scan3A_46 : i32
    %scan3A_48 = arith.constant 1 : i32
    scf.for %scan3A_51 = %scan3A_45 to %scan3A_47 step %scan3A_48  : i32 {
      %mul3A_52 = arith.constant 10 : i32
      %mul3A_53 = arith.muli %scan3A_51, %mul3A_52 : i32
      %add3A_54 = arith.constant 0 : i32
      %add3A_55 = arith.addi %mul3A_53, %add3A_54 : i32
      %dma_start3A = arith.constant 1 : i32
      %dma_start3A_56 = arith.constant 0 : i32
      %dma_start3A_57 = tpu.memref_slice %arg5[%add3A_55, %dma_start3A, %dma_start3A_56] : memref<90x2x112xi32, #tpu.memory_space<vmem>> -> memref<1x1x112xi32, #tpu.memory_space<vmem>>
      %dma_start3A_58 = tpu.memref_squeeze %dma_start3A_57 : memref<1x1x112xi32, #tpu.memory_space<vmem>> -> memref<112xi32, #tpu.memory_space<vmem>>
      %dma_start3A_59 = arith.constant 0 : i32
      %dma_start3A_60 = tpu.memref_slice %arg7[%dma_start3A_59] : memref<10240xf32, #tpu.memory_space<vmem_shared>> -> memref<10240xf32, #tpu.memory_space<vmem_shared>>
      tpu.enqueue_indirect_dma source(%arg6 : memref<112xf32, #tpu.memory_space<vmem>>) target(%dma_start3A_60 : memref<10240xf32, #tpu.memory_space<vmem_shared>>) offsets(%dma_start3A_58 : memref<112xi32, #tpu.memory_space<vmem>>) semaphore(%arg8 : memref<!tpu.dma_semaphore, #tpu.memory_space<semaphore_mem>>) {add = true}
      %mul3A_61 = arith.constant 10 : i32
      %mul3A_62 = arith.muli %scan3A_51, %mul3A_61 : i32
      %add3A_63 = arith.constant 1 : i32
      %add3A_64 = arith.addi %mul3A_62, %add3A_63 : i32
      %dma_start3A_65 = arith.constant 1 : i32
      %dma_start3A_66 = arith.constant 0 : i32
      %dma_start3A_67 = tpu.memref_slice %arg5[%add3A_64, %dma_start3A_65, %dma_start3A_66] : memref<90x2x112xi32, #tpu.memory_space<vmem>> -> memref<1x1x112xi32, #tpu.memory_space<vmem>>
      %dma_start3A_68 = tpu.memref_squeeze %dma_start3A_67 : memref<1x1x112xi32, #tpu.memory_space<vmem>> -> memref<112xi32, #tpu.memory_space<vmem>>
      %dma_start3A_69 = arith.constant 0 : i32
      %dma_start3A_70 = tpu.memref_slice %arg7[%dma_start3A_69] : memref<10240xf32, #tpu.memory_space<vmem_shared>> -> memref<10240xf32, #tpu.memory_space<vmem_shared>>
      tpu.enqueue_indirect_dma source(%arg6 : memref<112xf32, #tpu.memory_space<vmem>>) target(%dma_start3A_70 : memref<10240xf32, #tpu.memory_space<vmem_shared>>) offsets(%dma_start3A_68 : memref<112xi32, #tpu.memory_space<vmem>>) semaphore(%arg8 : memref<!tpu.dma_semaphore, #tpu.memory_space<semaphore_mem>>) {add = true}
      %mul3A_71 = arith.constant 10 : i32
      %mul3A_72 = arith.muli %scan3A_51, %mul3A_71 : i32
      %add3A_73 = arith.constant 2 : i32
      %add3A_74 = arith.addi %mul3A_72, %add3A_73 : i32
      %dma_start3A_75 = arith.constant 1 : i32
      %dma_start3A_76 = arith.constant 0 : i32
      %dma_start3A_77 = tpu.memref_slice %arg5[%add3A_74, %dma_start3A_75, %dma_start3A_76] : memref<90x2x112xi32, #tpu.memory_space<vmem>> -> memref<1x1x112xi32, #tpu.memory_space<vmem>>
      %dma_start3A_78 = tpu.memref_squeeze %dma_start3A_77 : memref<1x1x112xi32, #tpu.memory_space<vmem>> -> memref<112xi32, #tpu.memory_space<vmem>>
      %dma_start3A_79 = arith.constant 0 : i32
      %dma_start3A_80 = tpu.memref_slice %arg7[%dma_start3A_79] : memref<10240xf32, #tpu.memory_space<vmem_shared>> -> memref<10240xf32, #tpu.memory_space<vmem_shared>>
      tpu.enqueue_indirect_dma source(%arg6 : memref<112xf32, #tpu.memory_space<vmem>>) target(%dma_start3A_80 : memref<10240xf32, #tpu.memory_space<vmem_shared>>) offsets(%dma_start3A_78 : memref<112xi32, #tpu.memory_space<vmem>>) semaphore(%arg8 : memref<!tpu.dma_semaphore, #tpu.memory_space<semaphore_mem>>) {add = true}
      %mul3A_81 = arith.constant 10 : i32
      %mul3A_82 = arith.muli %scan3A_51, %mul3A_81 : i32
      %add3A_83 = arith.constant 3 : i32
      %add3A_84 = arith.addi %mul3A_82, %add3A_83 : i32
      %dma_start3A_85 = arith.constant 1 : i32
      %dma_start3A_86 = arith.constant 0 : i32
      %dma_start3A_87 = tpu.memref_slice %arg5[%add3A_84, %dma_start3A_85, %dma_start3A_86] : memref<90x2x112xi32, #tpu.memory_space<vmem>> -> memref<1x1x112xi32, #tpu.memory_space<vmem>>
      %dma_start3A_88 = tpu.memref_squeeze %dma_start3A_87 : memref<1x1x112xi32, #tpu.memory_space<vmem>> -> memref<112xi32, #tpu.memory_space<vmem>>
      %dma_start3A_89 = arith.constant 0 : i32
      %dma_start3A_90 = tpu.memref_slice %arg7[%dma_start3A_89] : memref<10240xf32, #tpu.memory_space<vmem_shared>> -> memref<10240xf32, #tpu.memory_space<vmem_shared>>
      tpu.enqueue_indirect_dma source(%arg6 : memref<112xf32, #tpu.memory_space<vmem>>) target(%dma_start3A_90 : memref<10240xf32, #tpu.memory_space<vmem_shared>>) offsets(%dma_start3A_88 : memref<112xi32, #tpu.memory_space<vmem>>) semaphore(%arg8 : memref<!tpu.dma_semaphore, #tpu.memory_space<semaphore_mem>>) {add = true}
      %mul3A_91 = arith.constant 10 : i32
      %mul3A_92 = arith.muli %scan3A_51, %mul3A_91 : i32
      %add3A_93 = arith.constant 4 : i32
      %add3A_94 = arith.addi %mul3A_92, %add3A_93 : i32
      %dma_start3A_95 = arith.constant 1 : i32
      %dma_start3A_96 = arith.constant 0 : i32
      %dma_start3A_97 = tpu.memref_slice %arg5[%add3A_94, %dma_start3A_95, %dma_start3A_96] : memref<90x2x112xi32, #tpu.memory_space<vmem>> -> memref<1x1x112xi32, #tpu.memory_space<vmem>>
      %dma_start3A_98 = tpu.memref_squeeze %dma_start3A_97 : memref<1x1x112xi32, #tpu.memory_space<vmem>> -> memref<112xi32, #tpu.memory_space<vmem>>
      %dma_start3A_99 = arith.constant 0 : i32
      %dma_start3A_100 = tpu.memref_slice %arg7[%dma_start3A_99] : memref<10240xf32, #tpu.memory_space<vmem_shared>> -> memref<10240xf32, #tpu.memory_space<vmem_shared>>
      tpu.enqueue_indirect_dma source(%arg6 : memref<112xf32, #tpu.memory_space<vmem>>) target(%dma_start3A_100 : memref<10240xf32, #tpu.memory_space<vmem_shared>>) offsets(%dma_start3A_98 : memref<112xi32, #tpu.memory_space<vmem>>) semaphore(%arg8 : memref<!tpu.dma_semaphore, #tpu.memory_space<semaphore_mem>>) {add = true}
      %mul3A_101 = arith.constant 10 : i32
      %mul3A_102 = arith.muli %scan3A_51, %mul3A_101 : i32
      %add3A_103 = arith.constant 5 : i32
      %add3A_104 = arith.addi %mul3A_102, %add3A_103 : i32
      %dma_start3A_105 = arith.constant 1 : i32
      %dma_start3A_106 = arith.constant 0 : i32
      %dma_start3A_107 = tpu.memref_slice %arg5[%add3A_104, %dma_start3A_105, %dma_start3A_106] : memref<90x2x112xi32, #tpu.memory_space<vmem>> -> memref<1x1x112xi32, #tpu.memory_space<vmem>>
      %dma_start3A_108 = tpu.memref_squeeze %dma_start3A_107 : memref<1x1x112xi32, #tpu.memory_space<vmem>> -> memref<112xi32, #tpu.memory_space<vmem>>
      %dma_start3A_109 = arith.constant 0 : i32
      %dma_start3A_110 = tpu.memref_slice %arg7[%dma_start3A_109] : memref<10240xf32, #tpu.memory_space<vmem_shared>> -> memref<10240xf32, #tpu.memory_space<vmem_shared>>
      tpu.enqueue_indirect_dma source(%arg6 : memref<112xf32, #tpu.memory_space<vmem>>) target(%dma_start3A_110 : memref<10240xf32, #tpu.memory_space<vmem_shared>>) offsets(%dma_start3A_108 : memref<112xi32, #tpu.memory_space<vmem>>) semaphore(%arg8 : memref<!tpu.dma_semaphore, #tpu.memory_space<semaphore_mem>>) {add = true}
      %mul3A_111 = arith.constant 10 : i32
      %mul3A_112 = arith.muli %scan3A_51, %mul3A_111 : i32
      %add3A_113 = arith.constant 6 : i32
      %add3A_114 = arith.addi %mul3A_112, %add3A_113 : i32
      %dma_start3A_115 = arith.constant 1 : i32
      %dma_start3A_116 = arith.constant 0 : i32
      %dma_start3A_117 = tpu.memref_slice %arg5[%add3A_114, %dma_start3A_115, %dma_start3A_116] : memref<90x2x112xi32, #tpu.memory_space<vmem>> -> memref<1x1x112xi32, #tpu.memory_space<vmem>>
      %dma_start3A_118 = tpu.memref_squeeze %dma_start3A_117 : memref<1x1x112xi32, #tpu.memory_space<vmem>> -> memref<112xi32, #tpu.memory_space<vmem>>
      %dma_start3A_119 = arith.constant 0 : i32
      %dma_start3A_120 = tpu.memref_slice %arg7[%dma_start3A_119] : memref<10240xf32, #tpu.memory_space<vmem_shared>> -> memref<10240xf32, #tpu.memory_space<vmem_shared>>
      tpu.enqueue_indirect_dma source(%arg6 : memref<112xf32, #tpu.memory_space<vmem>>) target(%dma_start3A_120 : memref<10240xf32, #tpu.memory_space<vmem_shared>>) offsets(%dma_start3A_118 : memref<112xi32, #tpu.memory_space<vmem>>) semaphore(%arg8 : memref<!tpu.dma_semaphore, #tpu.memory_space<semaphore_mem>>) {add = true}
      %mul3A_121 = arith.constant 10 : i32
      %mul3A_122 = arith.muli %scan3A_51, %mul3A_121 : i32
      %add3A_123 = arith.constant 7 : i32
      %add3A_124 = arith.addi %mul3A_122, %add3A_123 : i32
      %dma_start3A_125 = arith.constant 1 : i32
      %dma_start3A_126 = arith.constant 0 : i32
      %dma_start3A_127 = tpu.memref_slice %arg5[%add3A_124, %dma_start3A_125, %dma_start3A_126] : memref<90x2x112xi32, #tpu.memory_space<vmem>> -> memref<1x1x112xi32, #tpu.memory_space<vmem>>
      %dma_start3A_128 = tpu.memref_squeeze %dma_start3A_127 : memref<1x1x112xi32, #tpu.memory_space<vmem>> -> memref<112xi32, #tpu.memory_space<vmem>>
      %dma_start3A_129 = arith.constant 0 : i32
      %dma_start3A_130 = tpu.memref_slice %arg7[%dma_start3A_129] : memref<10240xf32, #tpu.memory_space<vmem_shared>> -> memref<10240xf32, #tpu.memory_space<vmem_shared>>
      tpu.enqueue_indirect_dma source(%arg6 : memref<112xf32, #tpu.memory_space<vmem>>) target(%dma_start3A_130 : memref<10240xf32, #tpu.memory_space<vmem_shared>>) offsets(%dma_start3A_128 : memref<112xi32, #tpu.memory_space<vmem>>) semaphore(%arg8 : memref<!tpu.dma_semaphore, #tpu.memory_space<semaphore_mem>>) {add = true}
      %mul3A_131 = arith.constant 10 : i32
      %mul3A_132 = arith.muli %scan3A_51, %mul3A_131 : i32
      %add3A_133 = arith.constant 8 : i32
      %add3A_134 = arith.addi %mul3A_132, %add3A_133 : i32
      %dma_start3A_135 = arith.constant 1 : i32
      %dma_start3A_136 = arith.constant 0 : i32
      %dma_start3A_137 = tpu.memref_slice %arg5[%add3A_134, %dma_start3A_135, %dma_start3A_136] : memref<90x2x112xi32, #tpu.memory_space<vmem>> -> memref<1x1x112xi32, #tpu.memory_space<vmem>>
      %dma_start3A_138 = tpu.memref_squeeze %dma_start3A_137 : memref<1x1x112xi32, #tpu.memory_space<vmem>> -> memref<112xi32, #tpu.memory_space<vmem>>
      %dma_start3A_139 = arith.constant 0 : i32
      %dma_start3A_140 = tpu.memref_slice %arg7[%dma_start3A_139] : memref<10240xf32, #tpu.memory_space<vmem_shared>> -> memref<10240xf32, #tpu.memory_space<vmem_shared>>
      tpu.enqueue_indirect_dma source(%arg6 : memref<112xf32, #tpu.memory_space<vmem>>) target(%dma_start3A_140 : memref<10240xf32, #tpu.memory_space<vmem_shared>>) offsets(%dma_start3A_138 : memref<112xi32, #tpu.memory_space<vmem>>) semaphore(%arg8 : memref<!tpu.dma_semaphore, #tpu.memory_space<semaphore_mem>>) {add = true}
      %mul3A_141 = arith.constant 10 : i32
      %mul3A_142 = arith.muli %scan3A_51, %mul3A_141 : i32
      %add3A_143 = arith.constant 9 : i32
      %add3A_144 = arith.addi %mul3A_142, %add3A_143 : i32
      %dma_start3A_145 = arith.constant 1 : i32
      %dma_start3A_146 = arith.constant 0 : i32
      %dma_start3A_147 = tpu.memref_slice %arg5[%add3A_144, %dma_start3A_145, %dma_start3A_146] : memref<90x2x112xi32, #tpu.memory_space<vmem>> -> memref<1x1x112xi32, #tpu.memory_space<vmem>>
      %dma_start3A_148 = tpu.memref_squeeze %dma_start3A_147 : memref<1x1x112xi32, #tpu.memory_space<vmem>> -> memref<112xi32, #tpu.memory_space<vmem>>
      %dma_start3A_149 = arith.constant 0 : i32
      %dma_start3A_150 = tpu.memref_slice %arg7[%dma_start3A_149] : memref<10240xf32, #tpu.memory_space<vmem_shared>> -> memref<10240xf32, #tpu.memory_space<vmem_shared>>
      tpu.enqueue_indirect_dma source(%arg6 : memref<112xf32, #tpu.memory_space<vmem>>) target(%dma_start3A_150 : memref<10240xf32, #tpu.memory_space<vmem_shared>>) offsets(%dma_start3A_148 : memref<112xi32, #tpu.memory_space<vmem>>) semaphore(%arg8 : memref<!tpu.dma_semaphore, #tpu.memory_space<semaphore_mem>>) {add = true}
      %mul3A_151 = arith.constant 10 : i32
      %mul3A_152 = arith.muli %scan3A_51, %mul3A_151 : i32
      %add3A_153 = arith.constant 0 : i32
      %add3A_154 = arith.addi %mul3A_152, %add3A_153 : i32
      %dma_wait3A = arith.constant 1 : i32
      %dma_wait3A_155 = arith.constant 0 : i32
      %dma_wait3A_156 = tpu.memref_slice %arg5[%add3A_154, %dma_wait3A, %dma_wait3A_155] : memref<90x2x112xi32, #tpu.memory_space<vmem>> -> memref<1x1x112xi32, #tpu.memory_space<vmem>>
      %dma_wait3A_157 = tpu.memref_squeeze %dma_wait3A_156 : memref<1x1x112xi32, #tpu.memory_space<vmem>> -> memref<112xi32, #tpu.memory_space<vmem>>
      %dma_wait3A_158 = arith.constant 0 : i32
      %dma_wait3A_159 = tpu.memref_slice %arg7[%dma_wait3A_158] : memref<10240xf32, #tpu.memory_space<vmem_shared>> -> memref<10240xf32, #tpu.memory_space<vmem_shared>>
      tpu.wait_indirect_dma semaphore(%arg8 : memref<!tpu.dma_semaphore, #tpu.memory_space<semaphore_mem>>) src(%arg6 : memref<112xf32, #tpu.memory_space<vmem>>) dst(%dma_wait3A_159 : memref<10240xf32, #tpu.memory_space<vmem_shared>>)
      %mul3A_160 = arith.constant 10 : i32
      %mul3A_161 = arith.muli %scan3A_51, %mul3A_160 : i32
      %add3A_162 = arith.constant 1 : i32
      %add3A_163 = arith.addi %mul3A_161, %add3A_162 : i32
      %dma_wait3A_164 = arith.constant 1 : i32
      %dma_wait3A_165 = arith.constant 0 : i32
      %dma_wait3A_166 = tpu.memref_slice %arg5[%add3A_163, %dma_wait3A_164, %dma_wait3A_165] : memref<90x2x112xi32, #tpu.memory_space<vmem>> -> memref<1x1x112xi32, #tpu.memory_space<vmem>>
      %dma_wait3A_167 = tpu.memref_squeeze %dma_wait3A_166 : memref<1x1x112xi32, #tpu.memory_space<vmem>> -> memref<112xi32, #tpu.memory_space<vmem>>
      %dma_wait3A_168 = arith.constant 0 : i32
      %dma_wait3A_169 = tpu.memref_slice %arg7[%dma_wait3A_168] : memref<10240xf32, #tpu.memory_space<vmem_shared>> -> memref<10240xf32, #tpu.memory_space<vmem_shared>>
      tpu.wait_indirect_dma semaphore(%arg8 : memref<!tpu.dma_semaphore, #tpu.memory_space<semaphore_mem>>) src(%arg6 : memref<112xf32, #tpu.memory_space<vmem>>) dst(%dma_wait3A_169 : memref<10240xf32, #tpu.memory_space<vmem_shared>>)
      %mul3A_170 = arith.constant 10 : i32
      %mul3A_171 = arith.muli %scan3A_51, %mul3A_170 : i32
      %add3A_172 = arith.constant 2 : i32
      %add3A_173 = arith.addi %mul3A_171, %add3A_172 : i32
      %dma_wait3A_174 = arith.constant 1 : i32
      %dma_wait3A_175 = arith.constant 0 : i32
      %dma_wait3A_176 = tpu.memref_slice %arg5[%add3A_173, %dma_wait3A_174, %dma_wait3A_175] : memref<90x2x112xi32, #tpu.memory_space<vmem>> -> memref<1x1x112xi32, #tpu.memory_space<vmem>>
      %dma_wait3A_177 = tpu.memref_squeeze %dma_wait3A_176 : memref<1x1x112xi32, #tpu.memory_space<vmem>> -> memref<112xi32, #tpu.memory_space<vmem>>
      %dma_wait3A_178 = arith.constant 0 : i32
      %dma_wait3A_179 = tpu.memref_slice %arg7[%dma_wait3A_178] : memref<10240xf32, #tpu.memory_space<vmem_shared>> -> memref<10240xf32, #tpu.memory_space<vmem_shared>>
      tpu.wait_indirect_dma semaphore(%arg8 : memref<!tpu.dma_semaphore, #tpu.memory_space<semaphore_mem>>) src(%arg6 : memref<112xf32, #tpu.memory_space<vmem>>) dst(%dma_wait3A_179 : memref<10240xf32, #tpu.memory_space<vmem_shared>>)
      %mul3A_180 = arith.constant 10 : i32
      %mul3A_181 = arith.muli %scan3A_51, %mul3A_180 : i32
      %add3A_182 = arith.constant 3 : i32
      %add3A_183 = arith.addi %mul3A_181, %add3A_182 : i32
      %dma_wait3A_184 = arith.constant 1 : i32
      %dma_wait3A_185 = arith.constant 0 : i32
      %dma_wait3A_186 = tpu.memref_slice %arg5[%add3A_183, %dma_wait3A_184, %dma_wait3A_185] : memref<90x2x112xi32, #tpu.memory_space<vmem>> -> memref<1x1x112xi32, #tpu.memory_space<vmem>>
      %dma_wait3A_187 = tpu.memref_squeeze %dma_wait3A_186 : memref<1x1x112xi32, #tpu.memory_space<vmem>> -> memref<112xi32, #tpu.memory_space<vmem>>
      %dma_wait3A_188 = arith.constant 0 : i32
      %dma_wait3A_189 = tpu.memref_slice %arg7[%dma_wait3A_188] : memref<10240xf32, #tpu.memory_space<vmem_shared>> -> memref<10240xf32, #tpu.memory_space<vmem_shared>>
      tpu.wait_indirect_dma semaphore(%arg8 : memref<!tpu.dma_semaphore, #tpu.memory_space<semaphore_mem>>) src(%arg6 : memref<112xf32, #tpu.memory_space<vmem>>) dst(%dma_wait3A_189 : memref<10240xf32, #tpu.memory_space<vmem_shared>>)
      %mul3A_190 = arith.constant 10 : i32
      %mul3A_191 = arith.muli %scan3A_51, %mul3A_190 : i32
      %add3A_192 = arith.constant 4 : i32
      %add3A_193 = arith.addi %mul3A_191, %add3A_192 : i32
      %dma_wait3A_194 = arith.constant 1 : i32
      %dma_wait3A_195 = arith.constant 0 : i32
      %dma_wait3A_196 = tpu.memref_slice %arg5[%add3A_193, %dma_wait3A_194, %dma_wait3A_195] : memref<90x2x112xi32, #tpu.memory_space<vmem>> -> memref<1x1x112xi32, #tpu.memory_space<vmem>>
      %dma_wait3A_197 = tpu.memref_squeeze %dma_wait3A_196 : memref<1x1x112xi32, #tpu.memory_space<vmem>> -> memref<112xi32, #tpu.memory_space<vmem>>
      %dma_wait3A_198 = arith.constant 0 : i32
      %dma_wait3A_199 = tpu.memref_slice %arg7[%dma_wait3A_198] : memref<10240xf32, #tpu.memory_space<vmem_shared>> -> memref<10240xf32, #tpu.memory_space<vmem_shared>>
      tpu.wait_indirect_dma semaphore(%arg8 : memref<!tpu.dma_semaphore, #tpu.memory_space<semaphore_mem>>) src(%arg6 : memref<112xf32, #tpu.memory_space<vmem>>) dst(%dma_wait3A_199 : memref<10240xf32, #tpu.memory_space<vmem_shared>>)
      %mul3A_200 = arith.constant 10 : i32
      %mul3A_201 = arith.muli %scan3A_51, %mul3A_200 : i32
      %add3A_202 = arith.constant 5 : i32
      %add3A_203 = arith.addi %mul3A_201, %add3A_202 : i32
      %dma_wait3A_204 = arith.constant 1 : i32
      %dma_wait3A_205 = arith.constant 0 : i32
      %dma_wait3A_206 = tpu.memref_slice %arg5[%add3A_203, %dma_wait3A_204, %dma_wait3A_205] : memref<90x2x112xi32, #tpu.memory_space<vmem>> -> memref<1x1x112xi32, #tpu.memory_space<vmem>>
      %dma_wait3A_207 = tpu.memref_squeeze %dma_wait3A_206 : memref<1x1x112xi32, #tpu.memory_space<vmem>> -> memref<112xi32, #tpu.memory_space<vmem>>
      %dma_wait3A_208 = arith.constant 0 : i32
      %dma_wait3A_209 = tpu.memref_slice %arg7[%dma_wait3A_208] : memref<10240xf32, #tpu.memory_space<vmem_shared>> -> memref<10240xf32, #tpu.memory_space<vmem_shared>>
      tpu.wait_indirect_dma semaphore(%arg8 : memref<!tpu.dma_semaphore, #tpu.memory_space<semaphore_mem>>) src(%arg6 : memref<112xf32, #tpu.memory_space<vmem>>) dst(%dma_wait3A_209 : memref<10240xf32, #tpu.memory_space<vmem_shared>>)
      %mul3A_210 = arith.constant 10 : i32
      %mul3A_211 = arith.muli %scan3A_51, %mul3A_210 : i32
      %add3A_212 = arith.constant 6 : i32
      %add3A_213 = arith.addi %mul3A_211, %add3A_212 : i32
      %dma_wait3A_214 = arith.constant 1 : i32
      %dma_wait3A_215 = arith.constant 0 : i32
      %dma_wait3A_216 = tpu.memref_slice %arg5[%add3A_213, %dma_wait3A_214, %dma_wait3A_215] : memref<90x2x112xi32, #tpu.memory_space<vmem>> -> memref<1x1x112xi32, #tpu.memory_space<vmem>>
      %dma_wait3A_217 = tpu.memref_squeeze %dma_wait3A_216 : memref<1x1x112xi32, #tpu.memory_space<vmem>> -> memref<112xi32, #tpu.memory_space<vmem>>
      %dma_wait3A_218 = arith.constant 0 : i32
      %dma_wait3A_219 = tpu.memref_slice %arg7[%dma_wait3A_218] : memref<10240xf32, #tpu.memory_space<vmem_shared>> -> memref<10240xf32, #tpu.memory_space<vmem_shared>>
      tpu.wait_indirect_dma semaphore(%arg8 : memref<!tpu.dma_semaphore, #tpu.memory_space<semaphore_mem>>) src(%arg6 : memref<112xf32, #tpu.memory_space<vmem>>) dst(%dma_wait3A_219 : memref<10240xf32, #tpu.memory_space<vmem_shared>>)
      %mul3A_220 = arith.constant 10 : i32
      %mul3A_221 = arith.muli %scan3A_51, %mul3A_220 : i32
      %add3A_222 = arith.constant 7 : i32
      %add3A_223 = arith.addi %mul3A_221, %add3A_222 : i32
      %dma_wait3A_224 = arith.constant 1 : i32
      %dma_wait3A_225 = arith.constant 0 : i32
      %dma_wait3A_226 = tpu.memref_slice %arg5[%add3A_223, %dma_wait3A_224, %dma_wait3A_225] : memref<90x2x112xi32, #tpu.memory_space<vmem>> -> memref<1x1x112xi32, #tpu.memory_space<vmem>>
      %dma_wait3A_227 = tpu.memref_squeeze %dma_wait3A_226 : memref<1x1x112xi32, #tpu.memory_space<vmem>> -> memref<112xi32, #tpu.memory_space<vmem>>
      %dma_wait3A_228 = arith.constant 0 : i32
      %dma_wait3A_229 = tpu.memref_slice %arg7[%dma_wait3A_228] : memref<10240xf32, #tpu.memory_space<vmem_shared>> -> memref<10240xf32, #tpu.memory_space<vmem_shared>>
      tpu.wait_indirect_dma semaphore(%arg8 : memref<!tpu.dma_semaphore, #tpu.memory_space<semaphore_mem>>) src(%arg6 : memref<112xf32, #tpu.memory_space<vmem>>) dst(%dma_wait3A_229 : memref<10240xf32, #tpu.memory_space<vmem_shared>>)
      %mul3A_230 = arith.constant 10 : i32
      %mul3A_231 = arith.muli %scan3A_51, %mul3A_230 : i32
      %add3A_232 = arith.constant 8 : i32
      %add3A_233 = arith.addi %mul3A_231, %add3A_232 : i32
      %dma_wait3A_234 = arith.constant 1 : i32
      %dma_wait3A_235 = arith.constant 0 : i32
      %dma_wait3A_236 = tpu.memref_slice %arg5[%add3A_233, %dma_wait3A_234, %dma_wait3A_235] : memref<90x2x112xi32, #tpu.memory_space<vmem>> -> memref<1x1x112xi32, #tpu.memory_space<vmem>>
      %dma_wait3A_237 = tpu.memref_squeeze %dma_wait3A_236 : memref<1x1x112xi32, #tpu.memory_space<vmem>> -> memref<112xi32, #tpu.memory_space<vmem>>
      %dma_wait3A_238 = arith.constant 0 : i32
      %dma_wait3A_239 = tpu.memref_slice %arg7[%dma_wait3A_238] : memref<10240xf32, #tpu.memory_space<vmem_shared>> -> memref<10240xf32, #tpu.memory_space<vmem_shared>>
      tpu.wait_indirect_dma semaphore(%arg8 : memref<!tpu.dma_semaphore, #tpu.memory_space<semaphore_mem>>) src(%arg6 : memref<112xf32, #tpu.memory_space<vmem>>) dst(%dma_wait3A_239 : memref<10240xf32, #tpu.memory_space<vmem_shared>>)
      %mul3A_240 = arith.constant 10 : i32
      %mul3A_241 = arith.muli %scan3A_51, %mul3A_240 : i32
      %add3A_242 = arith.constant 9 : i32
      %add3A_243 = arith.addi %mul3A_241, %add3A_242 : i32
      %dma_wait3A_244 = arith.constant 1 : i32
      %dma_wait3A_245 = arith.constant 0 : i32
      %dma_wait3A_246 = tpu.memref_slice %arg5[%add3A_243, %dma_wait3A_244, %dma_wait3A_245] : memref<90x2x112xi32, #tpu.memory_space<vmem>> -> memref<1x1x112xi32, #tpu.memory_space<vmem>>
      %dma_wait3A_247 = tpu.memref_squeeze %dma_wait3A_246 : memref<1x1x112xi32, #tpu.memory_space<vmem>> -> memref<112xi32, #tpu.memory_space<vmem>>
      %dma_wait3A_248 = arith.constant 0 : i32
      %dma_wait3A_249 = tpu.memref_slice %arg7[%dma_wait3A_248] : memref<10240xf32, #tpu.memory_space<vmem_shared>> -> memref<10240xf32, #tpu.memory_space<vmem_shared>>
      tpu.wait_indirect_dma semaphore(%arg8 : memref<!tpu.dma_semaphore, #tpu.memory_space<semaphore_mem>>) src(%arg6 : memref<112xf32, #tpu.memory_space<vmem>>) dst(%dma_wait3A_249 : memref<10240xf32, #tpu.memory_space<vmem_shared>>)
    }
    %scan3A_49 = arith.constant 9 : i32
    %barrier3A_50 = arith.constant 0 : index
    tpu.barrier barrier_id(%barrier3A_50)
    "tpu.region"() ({
      %run_scoped3A = tpu.sem_alloc : memref<!tpu.dma_semaphore, #tpu.memory_space<semaphore_mem>>
      %dma_start3A = tpu.memref_slice %arg4[%arg0, %mul3A_44] : memref<2x10240xf32, #tpu.memory_space<hbm>> -> memref<1x640xf32, #tpu.memory_space<hbm>>
      %dma_start3A_51 = tpu.memref_squeeze %dma_start3A : memref<1x640xf32, #tpu.memory_space<hbm>> -> memref<640xf32, #tpu.memory_space<hbm>>
      %dma_start3A_52 = tpu.memref_slice %arg7[%mul3A_44] : memref<10240xf32, #tpu.memory_space<vmem_shared>> -> memref<640xf32, #tpu.memory_space<vmem_shared>>
      tpu.enqueue_dma source(%dma_start3A_52 : memref<640xf32, #tpu.memory_space<vmem_shared>>) target(%dma_start3A_51 : memref<640xf32, #tpu.memory_space<hbm>>) target_semaphore(%run_scoped3A : memref<!tpu.dma_semaphore, #tpu.memory_space<semaphore_mem>>)
      %dma_wait3A = tpu.memref_slice %arg4[%arg0, %mul3A_44] : memref<2x10240xf32, #tpu.memory_space<hbm>> -> memref<1x640xf32, #tpu.memory_space<hbm>>
      %dma_wait3A_53 = tpu.memref_squeeze %dma_wait3A : memref<1x640xf32, #tpu.memory_space<hbm>> -> memref<640xf32, #tpu.memory_space<hbm>>
      %dma_wait3A_54 = tpu.memref_slice %arg7[%mul3A_44] : memref<10240xf32, #tpu.memory_space<vmem_shared>> -> memref<640xf32, #tpu.memory_space<vmem_shared>>
      tpu.wait_dma2 semaphore(%run_scoped3A : memref<!tpu.dma_semaphore, #tpu.memory_space<semaphore_mem>>) src(%dma_wait3A_54 : memref<640xf32, #tpu.memory_space<vmem_shared>>) dst(%dma_wait3A_53 : memref<640xf32, #tpu.memory_space<hbm>>)
      tpu.yield
    }) : () -> ()
    return
  }
}

#map = affine_map<(d0, d1) -> (0, 0, 0)>
#map1 = affine_map<(d0, d1) -> (0, 0)>
module attributes {stable_mosaic.version = 14 : i64} {
  func.func @_sc_spmm(%arg0: i32, %arg1: i32, %arg2: memref<2880x2x112xi32, #tpu.memory_space<hbm>>, %arg3: memref<10240x128xf32, #tpu.memory_space<hbm>>, %arg4: memref<2x10240x128xf32, #tpu.memory_space<hbm>>, %arg5: memref<5x2x112xi32, #tpu.memory_space<vmem>>, %arg6: memref<3x112x128xf32, #tpu.memory_space<vmem>>, %arg7: memref<10240x128xf32, #tpu.memory_space<vmem_shared>>, %arg8: memref<!tpu.dma_semaphore, #tpu.memory_space<semaphore_mem>>, %arg9: memref<!tpu.dma_semaphore, #tpu.memory_space<semaphore_mem>>, %arg10: memref<!tpu.dma_semaphore, #tpu.memory_space<semaphore_mem>>) attributes {dimension_semantics = [#tpu.dimension_semantics<core_parallel>, #tpu.dimension_semantics<subcore_parallel>], iteration_bounds = array<i64: 2, 16>, scalar_prefetch = 0 : i64, scratch_operands = 6 : i64, tpu.core_type = #tpu.core_type<sc_vector_subcore>, window_params = [{transform_indices = #map}, {transform_indices = #map1}, {transform_indices = #map}]} {
    %mul3A = arith.constant 2 : i32
    %mul3A_0 = arith.muli %arg1, %mul3A : i32
    %add3A = arith.addi %mul3A_0, %arg0 : i32
    %mul3A_1 = arith.constant 90 : i32
    %mul3A_2 = arith.muli %add3A, %mul3A_1 : i32
    %mul3A_3 = arith.constant 640 : i32
    %mul3A_4 = arith.muli %arg1, %mul3A_3 : i32
    %add3A_5 = arith.constant 0 : i32
    %add3A_6 = arith.addi %mul3A_2, %add3A_5 : i32
    %dma_start3A = arith.constant 0 : i32
    %dma_start3A_7 = arith.constant 0 : i32
    %dma_start3A_8 = arith.constant 0 : i32
    %dma_start3A_9 = tpu.memref_slice %arg5[%dma_start3A, %dma_start3A_7, %dma_start3A_8] : memref<5x2x112xi32, #tpu.memory_space<vmem>> -> memref<1x2x112xi32, #tpu.memory_space<vmem>>
    %dma_start3A_10 = tpu.memref_squeeze %dma_start3A_9 : memref<1x2x112xi32, #tpu.memory_space<vmem>> -> memref<2x112xi32, #tpu.memory_space<vmem>>
    %dma_start3A_11 = arith.constant 0 : i32
    %dma_start3A_12 = arith.constant 0 : i32
    %dma_start3A_13 = tpu.memref_slice %arg2[%add3A_6, %dma_start3A_11, %dma_start3A_12] : memref<2880x2x112xi32, #tpu.memory_space<hbm>> -> memref<1x2x112xi32, #tpu.memory_space<hbm>>
    %dma_start3A_14 = tpu.memref_squeeze %dma_start3A_13 : memref<1x2x112xi32, #tpu.memory_space<hbm>> -> memref<2x112xi32, #tpu.memory_space<hbm>>
    %dma_start3A_15 = arith.constant 0 : i32
    %dma_start3A_16 = arith.constant 0 : i32
    %dma_start3A_17 = tpu.memref_slice %arg5[%dma_start3A, %dma_start3A_15, %dma_start3A_16] : memref<5x2x112xi32, #tpu.memory_space<vmem>> -> memref<1x2x112xi32, #tpu.memory_space<vmem>>
    %dma_start3A_18 = tpu.memref_squeeze %dma_start3A_17 : memref<1x2x112xi32, #tpu.memory_space<vmem>> -> memref<2x112xi32, #tpu.memory_space<vmem>>
    %dma_start3A_19 = arith.constant 0 : i32
    %dma_start3A_20 = arith.constant 0 : i32
    %dma_start3A_21 = tpu.memref_slice %arg2[%add3A_6, %dma_start3A_19, %dma_start3A_20] : memref<2880x2x112xi32, #tpu.memory_space<hbm>> -> memref<1x2x112xi32, #tpu.memory_space<hbm>>
    %dma_start3A_22 = tpu.memref_squeeze %dma_start3A_21 : memref<1x2x112xi32, #tpu.memory_space<hbm>> -> memref<2x112xi32, #tpu.memory_space<hbm>>
    tpu.enqueue_dma source(%dma_start3A_22 : memref<2x112xi32, #tpu.memory_space<hbm>>) target(%dma_start3A_18 : memref<2x112xi32, #tpu.memory_space<vmem>>) target_semaphore(%arg8 : memref<!tpu.dma_semaphore, #tpu.memory_space<semaphore_mem>>)
    %add3A_23 = arith.constant 1 : i32
    %add3A_24 = arith.addi %mul3A_2, %add3A_23 : i32
    %dma_start3A_25 = arith.constant 1 : i32
    %dma_start3A_26 = arith.constant 0 : i32
    %dma_start3A_27 = arith.constant 0 : i32
    %dma_start3A_28 = tpu.memref_slice %arg5[%dma_start3A_25, %dma_start3A_26, %dma_start3A_27] : memref<5x2x112xi32, #tpu.memory_space<vmem>> -> memref<1x2x112xi32, #tpu.memory_space<vmem>>
    %dma_start3A_29 = tpu.memref_squeeze %dma_start3A_28 : memref<1x2x112xi32, #tpu.memory_space<vmem>> -> memref<2x112xi32, #tpu.memory_space<vmem>>
    %dma_start3A_30 = arith.constant 0 : i32
    %dma_start3A_31 = arith.constant 0 : i32
    %dma_start3A_32 = tpu.memref_slice %arg2[%add3A_24, %dma_start3A_30, %dma_start3A_31] : memref<2880x2x112xi32, #tpu.memory_space<hbm>> -> memref<1x2x112xi32, #tpu.memory_space<hbm>>
    %dma_start3A_33 = tpu.memref_squeeze %dma_start3A_32 : memref<1x2x112xi32, #tpu.memory_space<hbm>> -> memref<2x112xi32, #tpu.memory_space<hbm>>
    %dma_start3A_34 = arith.constant 0 : i32
    %dma_start3A_35 = arith.constant 0 : i32
    %dma_start3A_36 = tpu.memref_slice %arg5[%dma_start3A_25, %dma_start3A_34, %dma_start3A_35] : memref<5x2x112xi32, #tpu.memory_space<vmem>> -> memref<1x2x112xi32, #tpu.memory_space<vmem>>
    %dma_start3A_37 = tpu.memref_squeeze %dma_start3A_36 : memref<1x2x112xi32, #tpu.memory_space<vmem>> -> memref<2x112xi32, #tpu.memory_space<vmem>>
    %dma_start3A_38 = arith.constant 0 : i32
    %dma_start3A_39 = arith.constant 0 : i32
    %dma_start3A_40 = tpu.memref_slice %arg2[%add3A_24, %dma_start3A_38, %dma_start3A_39] : memref<2880x2x112xi32, #tpu.memory_space<hbm>> -> memref<1x2x112xi32, #tpu.memory_space<hbm>>
    %dma_start3A_41 = tpu.memref_squeeze %dma_start3A_40 : memref<1x2x112xi32, #tpu.memory_space<hbm>> -> memref<2x112xi32, #tpu.memory_space<hbm>>
    tpu.enqueue_dma source(%dma_start3A_41 : memref<2x112xi32, #tpu.memory_space<hbm>>) target(%dma_start3A_37 : memref<2x112xi32, #tpu.memory_space<vmem>>) target_semaphore(%arg8 : memref<!tpu.dma_semaphore, #tpu.memory_space<semaphore_mem>>)
    "tpu.region"() ({
      %run_scoped3A = tpu.sem_alloc : memref<!tpu.dma_semaphore, #tpu.memory_space<semaphore_mem>>
      %dma_start3A_105 = arith.constant 0 : i32
      %dma_start3A_106 = tpu.memref_slice %arg7[%mul3A_4, %dma_start3A_105] : memref<10240x128xf32, #tpu.memory_space<vmem_shared>> -> memref<640x128xf32, #tpu.memory_space<vmem_shared>>
      %dma_start3A_107 = arith.constant 0 : i32
      %dma_start3A_108 = tpu.memref_slice %arg3[%mul3A_4, %dma_start3A_107] : memref<10240x128xf32, #tpu.memory_space<hbm>> -> memref<640x128xf32, #tpu.memory_space<hbm>>
      tpu.enqueue_dma source(%dma_start3A_108 : memref<640x128xf32, #tpu.memory_space<hbm>>) target(%dma_start3A_106 : memref<640x128xf32, #tpu.memory_space<vmem_shared>>) target_semaphore(%run_scoped3A : memref<!tpu.dma_semaphore, #tpu.memory_space<semaphore_mem>>)
      %dma_wait3A_109 = arith.constant 0 : i32
      %dma_wait3A_110 = tpu.memref_slice %arg7[%mul3A_4, %dma_wait3A_109] : memref<10240x128xf32, #tpu.memory_space<vmem_shared>> -> memref<640x128xf32, #tpu.memory_space<vmem_shared>>
      %dma_wait3A_111 = arith.constant 0 : i32
      %dma_wait3A_112 = tpu.memref_slice %arg3[%mul3A_4, %dma_wait3A_111] : memref<10240x128xf32, #tpu.memory_space<hbm>> -> memref<640x128xf32, #tpu.memory_space<hbm>>
      tpu.wait_dma2 semaphore(%run_scoped3A : memref<!tpu.dma_semaphore, #tpu.memory_space<semaphore_mem>>) src(%dma_wait3A_112 : memref<640x128xf32, #tpu.memory_space<hbm>>) dst(%dma_wait3A_110 : memref<640x128xf32, #tpu.memory_space<vmem_shared>>)
      tpu.yield
    }) : () -> ()
    %barrier3A = arith.constant 0 : index
    tpu.barrier barrier_id(%barrier3A)
    %add3A_42 = arith.constant 0 : i32
    %add3A_43 = arith.addi %mul3A_2, %add3A_42 : i32
    %dma_wait3A = arith.constant 0 : i32
    %dma_wait3A_44 = arith.constant 0 : i32
    %dma_wait3A_45 = arith.constant 0 : i32
    %dma_wait3A_46 = tpu.memref_slice %arg5[%dma_wait3A, %dma_wait3A_44, %dma_wait3A_45] : memref<5x2x112xi32, #tpu.memory_space<vmem>> -> memref<1x2x112xi32, #tpu.memory_space<vmem>>
    %dma_wait3A_47 = tpu.memref_squeeze %dma_wait3A_46 : memref<1x2x112xi32, #tpu.memory_space<vmem>> -> memref<2x112xi32, #tpu.memory_space<vmem>>
    %dma_wait3A_48 = arith.constant 0 : i32
    %dma_wait3A_49 = arith.constant 0 : i32
    %dma_wait3A_50 = tpu.memref_slice %arg2[%add3A_43, %dma_wait3A_48, %dma_wait3A_49] : memref<2880x2x112xi32, #tpu.memory_space<hbm>> -> memref<1x2x112xi32, #tpu.memory_space<hbm>>
    %dma_wait3A_51 = tpu.memref_squeeze %dma_wait3A_50 : memref<1x2x112xi32, #tpu.memory_space<hbm>> -> memref<2x112xi32, #tpu.memory_space<hbm>>
    %dma_wait3A_52 = arith.constant 0 : i32
    %dma_wait3A_53 = arith.constant 0 : i32
    %dma_wait3A_54 = tpu.memref_slice %arg5[%dma_wait3A, %dma_wait3A_52, %dma_wait3A_53] : memref<5x2x112xi32, #tpu.memory_space<vmem>> -> memref<1x2x112xi32, #tpu.memory_space<vmem>>
    %dma_wait3A_55 = tpu.memref_squeeze %dma_wait3A_54 : memref<1x2x112xi32, #tpu.memory_space<vmem>> -> memref<2x112xi32, #tpu.memory_space<vmem>>
    %dma_wait3A_56 = arith.constant 0 : i32
    %dma_wait3A_57 = arith.constant 0 : i32
    %dma_wait3A_58 = tpu.memref_slice %arg2[%add3A_43, %dma_wait3A_56, %dma_wait3A_57] : memref<2880x2x112xi32, #tpu.memory_space<hbm>> -> memref<1x2x112xi32, #tpu.memory_space<hbm>>
    %dma_wait3A_59 = tpu.memref_squeeze %dma_wait3A_58 : memref<1x2x112xi32, #tpu.memory_space<hbm>> -> memref<2x112xi32, #tpu.memory_space<hbm>>
    tpu.wait_dma2 semaphore(%arg8 : memref<!tpu.dma_semaphore, #tpu.memory_space<semaphore_mem>>) src(%dma_wait3A_59 : memref<2x112xi32, #tpu.memory_space<hbm>>) dst(%dma_wait3A_55 : memref<2x112xi32, #tpu.memory_space<vmem>>)
    %dma_start3A_60 = arith.constant 0 : i32
    %dma_start3A_61 = arith.constant 0 : i32
    %dma_start3A_62 = arith.constant 0 : i32
    %dma_start3A_63 = arith.constant 0 : i32
    %dma_start3A_64 = arith.constant 0 : i32
    %dma_start3A_65 = tpu.memref_slice %arg6[%dma_start3A_62, %dma_start3A_63, %dma_start3A_64] : memref<3x112x128xf32, #tpu.memory_space<vmem>> -> memref<1x112x128xf32, #tpu.memory_space<vmem>>
    %dma_start3A_66 = tpu.memref_squeeze %dma_start3A_65 : memref<1x112x128xf32, #tpu.memory_space<vmem>> -> memref<112x128xf32, #tpu.memory_space<vmem>>
    %dma_start3A_67 = arith.constant 0 : i32
    %dma_start3A_68 = tpu.memref_slice %arg5[%dma_start3A_60, %dma_start3A_61, %dma_start3A_67] : memref<5x2x112xi32, #tpu.memory_space<vmem>> -> memref<1x1x112xi32, #tpu.memory_space<vmem>>
    %dma_start3A_69 = tpu.memref_squeeze %dma_start3A_68 : memref<1x1x112xi32, #tpu.memory_space<vmem>> -> memref<112xi32, #tpu.memory_space<vmem>>
    %dma_start3A_70 = arith.constant 0 : i32
    %dma_start3A_71 = arith.constant 0 : i32
    %dma_start3A_72 = tpu.memref_slice %arg3[%dma_start3A_70, %dma_start3A_71] : memref<10240x128xf32, #tpu.memory_space<hbm>> -> memref<10240x128xf32, #tpu.memory_space<hbm>>
    tpu.enqueue_indirect_dma source(%dma_start3A_72 : memref<10240x128xf32, #tpu.memory_space<hbm>>) target(%dma_start3A_66 : memref<112x128xf32, #tpu.memory_space<vmem>>) offsets(%dma_start3A_69 : memref<112xi32, #tpu.memory_space<vmem>>) semaphore(%arg9 : memref<!tpu.dma_semaphore, #tpu.memory_space<semaphore_mem>>)
    %scan3A = arith.constant 0 : i32
    %scan3A_73 = arith.constant 0 : i32
    %scan3A_74 = arith.constant 90 : i32
    %scan3A_75 = arith.addi %scan3A_73, %scan3A_74 : i32
    %scan3A_76 = arith.constant 1 : i32
    scf.for %scan3A_105 = %scan3A_73 to %scan3A_75 step %scan3A_76  : i32 {
      %ge3A = arith.constant 2 : i32
      %ge3A_106 = arith.cmpi sge, %scan3A_105, %ge3A : i32
      %convert_element_type3A = arith.extui %ge3A_106 : i1 to i32
      %cond3A = arith.constant 0 : i32
      %cond3A_107 = arith.cmpi ne, %convert_element_type3A, %cond3A : i32
      scf.if %cond3A_107 {
        %sub3A = arith.constant 2 : i32
        %sub3A_201 = arith.subi %scan3A_105, %sub3A : i32
        %jit3A_202 = arith.constant 3 : i32
        %eq3A_203 = arith.constant 0 : i32
        %eq3A_204 = arith.cmpi eq, %jit3A_202, %eq3A_203 : i32
        %jit3A_205 = arith.constant 1 : i32
        %select_n3A_206 = arith.select %eq3A_204, %jit3A_205, %jit3A_202 : i32
        %rem3A_207 = arith.remsi %sub3A_201, %select_n3A_206 : i32
        %ne3A_208 = arith.constant 0 : i32
        %ne3A_209 = arith.cmpi ne, %rem3A_207, %ne3A_208 : i32
        %lt3A_210 = arith.constant 0 : i32
        %lt3A_211 = arith.cmpi slt, %rem3A_207, %lt3A_210 : i32
        %lt3A_212 = arith.constant 0 : i32
        %lt3A_213 = arith.cmpi slt, %select_n3A_206, %lt3A_212 : i32
        %ne3A_214 = arith.xori %lt3A_211, %lt3A_213 : i1
        %and3A_215 = arith.andi %ne3A_214, %ne3A_209 : i1
        %add3A_216 = arith.addi %rem3A_207, %select_n3A_206 : i32
        %select_n3A_217 = arith.select %and3A_215, %add3A_216, %rem3A_207 : i32
        %jit3A_218 = arith.constant 5 : i32
        %eq3A_219 = arith.constant 0 : i32
        %eq3A_220 = arith.cmpi eq, %jit3A_218, %eq3A_219 : i32
        %jit3A_221 = arith.constant 1 : i32
        %select_n3A_222 = arith.select %eq3A_220, %jit3A_221, %jit3A_218 : i32
        %rem3A_223 = arith.remsi %sub3A_201, %select_n3A_222 : i32
        %ne3A_224 = arith.constant 0 : i32
        %ne3A_225 = arith.cmpi ne, %rem3A_223, %ne3A_224 : i32
        %lt3A_226 = arith.constant 0 : i32
        %lt3A_227 = arith.cmpi slt, %rem3A_223, %lt3A_226 : i32
        %lt3A_228 = arith.constant 0 : i32
        %lt3A_229 = arith.cmpi slt, %select_n3A_222, %lt3A_228 : i32
        %ne3A_230 = arith.xori %lt3A_227, %lt3A_229 : i1
        %and3A_231 = arith.andi %ne3A_230, %ne3A_225 : i1
        %add3A_232 = arith.addi %rem3A_223, %select_n3A_222 : i32
        %select_n3A_233 = arith.select %and3A_231, %add3A_232, %rem3A_223 : i32
        %dma_wait3A_234 = arith.constant 1 : i32
        %dma_wait3A_235 = arith.constant 0 : i32
        %dma_wait3A_236 = arith.constant 0 : i32
        %dma_wait3A_237 = tpu.memref_slice %arg6[%select_n3A_217, %dma_wait3A_235, %dma_wait3A_236] : memref<3x112x128xf32, #tpu.memory_space<vmem>> -> memref<1x112x128xf32, #tpu.memory_space<vmem>>
        %dma_wait3A_238 = tpu.memref_squeeze %dma_wait3A_237 : memref<1x112x128xf32, #tpu.memory_space<vmem>> -> memref<112x128xf32, #tpu.memory_space<vmem>>
        %dma_wait3A_239 = arith.constant 0 : i32
        %dma_wait3A_240 = tpu.memref_slice %arg5[%select_n3A_233, %dma_wait3A_234, %dma_wait3A_239] : memref<5x2x112xi32, #tpu.memory_space<vmem>> -> memref<1x1x112xi32, #tpu.memory_space<vmem>>
        %dma_wait3A_241 = tpu.memref_squeeze %dma_wait3A_240 : memref<1x1x112xi32, #tpu.memory_space<vmem>> -> memref<112xi32, #tpu.memory_space<vmem>>
        %dma_wait3A_242 = arith.constant 0 : i32
        %dma_wait3A_243 = arith.constant 0 : i32
        %dma_wait3A_244 = tpu.memref_slice %arg7[%dma_wait3A_242, %dma_wait3A_243] : memref<10240x128xf32, #tpu.memory_space<vmem_shared>> -> memref<10240x128xf32, #tpu.memory_space<vmem_shared>>
        tpu.wait_indirect_dma semaphore(%arg10 : memref<!tpu.dma_semaphore, #tpu.memory_space<semaphore_mem>>) src(%dma_wait3A_238 : memref<112x128xf32, #tpu.memory_space<vmem>>) dst(%dma_wait3A_244 : memref<10240x128xf32, #tpu.memory_space<vmem_shared>>)
      } else {
      }
      %add3A_108 = arith.constant 2 : i32
      %add3A_109 = arith.addi %scan3A_105, %add3A_108 : i32
      %lt3A = arith.constant 90 : i32
      %lt3A_110 = arith.cmpi slt, %add3A_109, %lt3A : i32
      %convert_element_type3A_111 = arith.extui %lt3A_110 : i1 to i32
      %cond3A_112 = arith.constant 0 : i32
      %cond3A_113 = arith.cmpi ne, %convert_element_type3A_111, %cond3A_112 : i32
      scf.if %cond3A_113 {
        %add3A_201 = arith.constant 2 : i32
        %add3A_202 = arith.addi %scan3A_105, %add3A_201 : i32
        %add3A_203 = arith.addi %mul3A_2, %add3A_202 : i32
        %jit3A_204 = arith.constant 5 : i32
        %eq3A_205 = arith.constant 0 : i32
        %eq3A_206 = arith.cmpi eq, %jit3A_204, %eq3A_205 : i32
        %jit3A_207 = arith.constant 1 : i32
        %select_n3A_208 = arith.select %eq3A_206, %jit3A_207, %jit3A_204 : i32
        %rem3A_209 = arith.remsi %add3A_202, %select_n3A_208 : i32
        %ne3A_210 = arith.constant 0 : i32
        %ne3A_211 = arith.cmpi ne, %rem3A_209, %ne3A_210 : i32
        %lt3A_212 = arith.constant 0 : i32
        %lt3A_213 = arith.cmpi slt, %rem3A_209, %lt3A_212 : i32
        %lt3A_214 = arith.constant 0 : i32
        %lt3A_215 = arith.cmpi slt, %select_n3A_208, %lt3A_214 : i32
        %ne3A_216 = arith.xori %lt3A_213, %lt3A_215 : i1
        %and3A_217 = arith.andi %ne3A_216, %ne3A_211 : i1
        %add3A_218 = arith.addi %rem3A_209, %select_n3A_208 : i32
        %select_n3A_219 = arith.select %and3A_217, %add3A_218, %rem3A_209 : i32
        %dma_start3A_220 = arith.constant 0 : i32
        %dma_start3A_221 = arith.constant 0 : i32
        %dma_start3A_222 = tpu.memref_slice %arg5[%select_n3A_219, %dma_start3A_220, %dma_start3A_221] : memref<5x2x112xi32, #tpu.memory_space<vmem>> -> memref<1x2x112xi32, #tpu.memory_space<vmem>>
        %dma_start3A_223 = tpu.memref_squeeze %dma_start3A_222 : memref<1x2x112xi32, #tpu.memory_space<vmem>> -> memref<2x112xi32, #tpu.memory_space<vmem>>
        %dma_start3A_224 = arith.constant 0 : i32
        %dma_start3A_225 = arith.constant 0 : i32
        %dma_start3A_226 = tpu.memref_slice %arg2[%add3A_203, %dma_start3A_224, %dma_start3A_225] : memref<2880x2x112xi32, #tpu.memory_space<hbm>> -> memref<1x2x112xi32, #tpu.memory_space<hbm>>
        %dma_start3A_227 = tpu.memref_squeeze %dma_start3A_226 : memref<1x2x112xi32, #tpu.memory_space<hbm>> -> memref<2x112xi32, #tpu.memory_space<hbm>>
        %dma_start3A_228 = arith.constant 0 : i32
        %dma_start3A_229 = arith.constant 0 : i32
        %dma_start3A_230 = tpu.memref_slice %arg5[%select_n3A_219, %dma_start3A_228, %dma_start3A_229] : memref<5x2x112xi32, #tpu.memory_space<vmem>> -> memref<1x2x112xi32, #tpu.memory_space<vmem>>
        %dma_start3A_231 = tpu.memref_squeeze %dma_start3A_230 : memref<1x2x112xi32, #tpu.memory_space<vmem>> -> memref<2x112xi32, #tpu.memory_space<vmem>>
        %dma_start3A_232 = arith.constant 0 : i32
        %dma_start3A_233 = arith.constant 0 : i32
        %dma_start3A_234 = tpu.memref_slice %arg2[%add3A_203, %dma_start3A_232, %dma_start3A_233] : memref<2880x2x112xi32, #tpu.memory_space<hbm>> -> memref<1x2x112xi32, #tpu.memory_space<hbm>>
        %dma_start3A_235 = tpu.memref_squeeze %dma_start3A_234 : memref<1x2x112xi32, #tpu.memory_space<hbm>> -> memref<2x112xi32, #tpu.memory_space<hbm>>
        tpu.enqueue_dma source(%dma_start3A_235 : memref<2x112xi32, #tpu.memory_space<hbm>>) target(%dma_start3A_231 : memref<2x112xi32, #tpu.memory_space<vmem>>) target_semaphore(%arg8 : memref<!tpu.dma_semaphore, #tpu.memory_space<semaphore_mem>>)
      } else {
      }
      %add3A_114 = arith.constant 1 : i32
      %add3A_115 = arith.addi %scan3A_105, %add3A_114 : i32
      %lt3A_116 = arith.constant 90 : i32
      %lt3A_117 = arith.cmpi slt, %add3A_115, %lt3A_116 : i32
      %convert_element_type3A_118 = arith.extui %lt3A_117 : i1 to i32
      %cond3A_119 = arith.constant 0 : i32
      %cond3A_120 = arith.cmpi ne, %convert_element_type3A_118, %cond3A_119 : i32
      scf.if %cond3A_120 {
        %add3A_201 = arith.constant 1 : i32
        %add3A_202 = arith.addi %scan3A_105, %add3A_201 : i32
        %add3A_203 = arith.addi %mul3A_2, %add3A_202 : i32
        %jit3A_204 = arith.constant 5 : i32
        %eq3A_205 = arith.constant 0 : i32
        %eq3A_206 = arith.cmpi eq, %jit3A_204, %eq3A_205 : i32
        %jit3A_207 = arith.constant 1 : i32
        %select_n3A_208 = arith.select %eq3A_206, %jit3A_207, %jit3A_204 : i32
        %rem3A_209 = arith.remsi %add3A_202, %select_n3A_208 : i32
        %ne3A_210 = arith.constant 0 : i32
        %ne3A_211 = arith.cmpi ne, %rem3A_209, %ne3A_210 : i32
        %lt3A_212 = arith.constant 0 : i32
        %lt3A_213 = arith.cmpi slt, %rem3A_209, %lt3A_212 : i32
        %lt3A_214 = arith.constant 0 : i32
        %lt3A_215 = arith.cmpi slt, %select_n3A_208, %lt3A_214 : i32
        %ne3A_216 = arith.xori %lt3A_213, %lt3A_215 : i1
        %and3A_217 = arith.andi %ne3A_216, %ne3A_211 : i1
        %add3A_218 = arith.addi %rem3A_209, %select_n3A_208 : i32
        %select_n3A_219 = arith.select %and3A_217, %add3A_218, %rem3A_209 : i32
        %dma_wait3A_220 = arith.constant 0 : i32
        %dma_wait3A_221 = arith.constant 0 : i32
        %dma_wait3A_222 = tpu.memref_slice %arg5[%select_n3A_219, %dma_wait3A_220, %dma_wait3A_221] : memref<5x2x112xi32, #tpu.memory_space<vmem>> -> memref<1x2x112xi32, #tpu.memory_space<vmem>>
        %dma_wait3A_223 = tpu.memref_squeeze %dma_wait3A_222 : memref<1x2x112xi32, #tpu.memory_space<vmem>> -> memref<2x112xi32, #tpu.memory_space<vmem>>
        %dma_wait3A_224 = arith.constant 0 : i32
        %dma_wait3A_225 = arith.constant 0 : i32
        %dma_wait3A_226 = tpu.memref_slice %arg2[%add3A_203, %dma_wait3A_224, %dma_wait3A_225] : memref<2880x2x112xi32, #tpu.memory_space<hbm>> -> memref<1x2x112xi32, #tpu.memory_space<hbm>>
        %dma_wait3A_227 = tpu.memref_squeeze %dma_wait3A_226 : memref<1x2x112xi32, #tpu.memory_space<hbm>> -> memref<2x112xi32, #tpu.memory_space<hbm>>
        %dma_wait3A_228 = arith.constant 0 : i32
        %dma_wait3A_229 = arith.constant 0 : i32
        %dma_wait3A_230 = tpu.memref_slice %arg5[%select_n3A_219, %dma_wait3A_228, %dma_wait3A_229] : memref<5x2x112xi32, #tpu.memory_space<vmem>> -> memref<1x2x112xi32, #tpu.memory_space<vmem>>
        %dma_wait3A_231 = tpu.memref_squeeze %dma_wait3A_230 : memref<1x2x112xi32, #tpu.memory_space<vmem>> -> memref<2x112xi32, #tpu.memory_space<vmem>>
        %dma_wait3A_232 = arith.constant 0 : i32
        %dma_wait3A_233 = arith.constant 0 : i32
        %dma_wait3A_234 = tpu.memref_slice %arg2[%add3A_203, %dma_wait3A_232, %dma_wait3A_233] : memref<2880x2x112xi32, #tpu.memory_space<hbm>> -> memref<1x2x112xi32, #tpu.memory_space<hbm>>
        %dma_wait3A_235 = tpu.memref_squeeze %dma_wait3A_234 : memref<1x2x112xi32, #tpu.memory_space<hbm>> -> memref<2x112xi32, #tpu.memory_space<hbm>>
        tpu.wait_dma2 semaphore(%arg8 : memref<!tpu.dma_semaphore, #tpu.memory_space<semaphore_mem>>) src(%dma_wait3A_235 : memref<2x112xi32, #tpu.memory_space<hbm>>) dst(%dma_wait3A_231 : memref<2x112xi32, #tpu.memory_space<vmem>>)
        %add3A_236 = arith.constant 1 : i32
        %add3A_237 = arith.addi %scan3A_105, %add3A_236 : i32
        %jit3A_238 = arith.constant 5 : i32
        %eq3A_239 = arith.constant 0 : i32
        %eq3A_240 = arith.cmpi eq, %jit3A_238, %eq3A_239 : i32
        %jit3A_241 = arith.constant 1 : i32
        %select_n3A_242 = arith.select %eq3A_240, %jit3A_241, %jit3A_238 : i32
        %rem3A_243 = arith.remsi %add3A_237, %select_n3A_242 : i32
        %ne3A_244 = arith.constant 0 : i32
        %ne3A_245 = arith.cmpi ne, %rem3A_243, %ne3A_244 : i32
        %lt3A_246 = arith.constant 0 : i32
        %lt3A_247 = arith.cmpi slt, %rem3A_243, %lt3A_246 : i32
        %lt3A_248 = arith.constant 0 : i32
        %lt3A_249 = arith.cmpi slt, %select_n3A_242, %lt3A_248 : i32
        %ne3A_250 = arith.xori %lt3A_247, %lt3A_249 : i1
        %and3A_251 = arith.andi %ne3A_250, %ne3A_245 : i1
        %add3A_252 = arith.addi %rem3A_243, %select_n3A_242 : i32
        %select_n3A_253 = arith.select %and3A_251, %add3A_252, %rem3A_243 : i32
        %jit3A_254 = arith.constant 3 : i32
        %eq3A_255 = arith.constant 0 : i32
        %eq3A_256 = arith.cmpi eq, %jit3A_254, %eq3A_255 : i32
        %jit3A_257 = arith.constant 1 : i32
        %select_n3A_258 = arith.select %eq3A_256, %jit3A_257, %jit3A_254 : i32
        %rem3A_259 = arith.remsi %add3A_237, %select_n3A_258 : i32
        %ne3A_260 = arith.constant 0 : i32
        %ne3A_261 = arith.cmpi ne, %rem3A_259, %ne3A_260 : i32
        %lt3A_262 = arith.constant 0 : i32
        %lt3A_263 = arith.cmpi slt, %rem3A_259, %lt3A_262 : i32
        %lt3A_264 = arith.constant 0 : i32
        %lt3A_265 = arith.cmpi slt, %select_n3A_258, %lt3A_264 : i32
        %ne3A_266 = arith.xori %lt3A_263, %lt3A_265 : i1
        %and3A_267 = arith.andi %ne3A_266, %ne3A_261 : i1
        %add3A_268 = arith.addi %rem3A_259, %select_n3A_258 : i32
        %select_n3A_269 = arith.select %and3A_267, %add3A_268, %rem3A_259 : i32
        %dma_start3A_270 = arith.constant 0 : i32
        %dma_start3A_271 = arith.constant 0 : i32
        %dma_start3A_272 = arith.constant 0 : i32
        %dma_start3A_273 = tpu.memref_slice %arg6[%select_n3A_269, %dma_start3A_271, %dma_start3A_272] : memref<3x112x128xf32, #tpu.memory_space<vmem>> -> memref<1x112x128xf32, #tpu.memory_space<vmem>>
        %dma_start3A_274 = tpu.memref_squeeze %dma_start3A_273 : memref<1x112x128xf32, #tpu.memory_space<vmem>> -> memref<112x128xf32, #tpu.memory_space<vmem>>
        %dma_start3A_275 = arith.constant 0 : i32
        %dma_start3A_276 = tpu.memref_slice %arg5[%select_n3A_253, %dma_start3A_270, %dma_start3A_275] : memref<5x2x112xi32, #tpu.memory_space<vmem>> -> memref<1x1x112xi32, #tpu.memory_space<vmem>>
        %dma_start3A_277 = tpu.memref_squeeze %dma_start3A_276 : memref<1x1x112xi32, #tpu.memory_space<vmem>> -> memref<112xi32, #tpu.memory_space<vmem>>
        %dma_start3A_278 = arith.constant 0 : i32
        %dma_start3A_279 = arith.constant 0 : i32
        %dma_start3A_280 = tpu.memref_slice %arg3[%dma_start3A_278, %dma_start3A_279] : memref<10240x128xf32, #tpu.memory_space<hbm>> -> memref<10240x128xf32, #tpu.memory_space<hbm>>
        tpu.enqueue_indirect_dma source(%dma_start3A_280 : memref<10240x128xf32, #tpu.memory_space<hbm>>) target(%dma_start3A_274 : memref<112x128xf32, #tpu.memory_space<vmem>>) offsets(%dma_start3A_277 : memref<112xi32, #tpu.memory_space<vmem>>) semaphore(%arg9 : memref<!tpu.dma_semaphore, #tpu.memory_space<semaphore_mem>>)
      } else {
      }
      %jit3A = arith.constant 5 : i32
      %eq3A = arith.constant 0 : i32
      %eq3A_121 = arith.cmpi eq, %jit3A, %eq3A : i32
      %jit3A_122 = arith.constant 1 : i32
      %select_n3A = arith.select %eq3A_121, %jit3A_122, %jit3A : i32
      %rem3A = arith.remsi %scan3A_105, %select_n3A : i32
      %ne3A = arith.constant 0 : i32
      %ne3A_123 = arith.cmpi ne, %rem3A, %ne3A : i32
      %lt3A_124 = arith.constant 0 : i32
      %lt3A_125 = arith.cmpi slt, %rem3A, %lt3A_124 : i32
      %lt3A_126 = arith.constant 0 : i32
      %lt3A_127 = arith.cmpi slt, %select_n3A, %lt3A_126 : i32
      %ne3A_128 = arith.xori %lt3A_125, %lt3A_127 : i1
      %and3A = arith.andi %ne3A_128, %ne3A_123 : i1
      %add3A_129 = arith.addi %rem3A, %select_n3A : i32
      %select_n3A_130 = arith.select %and3A, %add3A_129, %rem3A : i32
      %jit3A_131 = arith.constant 3 : i32
      %eq3A_132 = arith.constant 0 : i32
      %eq3A_133 = arith.cmpi eq, %jit3A_131, %eq3A_132 : i32
      %jit3A_134 = arith.constant 1 : i32
      %select_n3A_135 = arith.select %eq3A_133, %jit3A_134, %jit3A_131 : i32
      %rem3A_136 = arith.remsi %scan3A_105, %select_n3A_135 : i32
      %ne3A_137 = arith.constant 0 : i32
      %ne3A_138 = arith.cmpi ne, %rem3A_136, %ne3A_137 : i32
      %lt3A_139 = arith.constant 0 : i32
      %lt3A_140 = arith.cmpi slt, %rem3A_136, %lt3A_139 : i32
      %lt3A_141 = arith.constant 0 : i32
      %lt3A_142 = arith.cmpi slt, %select_n3A_135, %lt3A_141 : i32
      %ne3A_143 = arith.xori %lt3A_140, %lt3A_142 : i1
      %and3A_144 = arith.andi %ne3A_143, %ne3A_138 : i1
      %add3A_145 = arith.addi %rem3A_136, %select_n3A_135 : i32
      %select_n3A_146 = arith.select %and3A_144, %add3A_145, %rem3A_136 : i32
      %dma_wait3A_147 = arith.constant 0 : i32
      %dma_wait3A_148 = arith.constant 0 : i32
      %dma_wait3A_149 = arith.constant 0 : i32
      %dma_wait3A_150 = tpu.memref_slice %arg6[%select_n3A_146, %dma_wait3A_148, %dma_wait3A_149] : memref<3x112x128xf32, #tpu.memory_space<vmem>> -> memref<1x112x128xf32, #tpu.memory_space<vmem>>
      %dma_wait3A_151 = tpu.memref_squeeze %dma_wait3A_150 : memref<1x112x128xf32, #tpu.memory_space<vmem>> -> memref<112x128xf32, #tpu.memory_space<vmem>>
      %dma_wait3A_152 = arith.constant 0 : i32
      %dma_wait3A_153 = tpu.memref_slice %arg5[%select_n3A_130, %dma_wait3A_147, %dma_wait3A_152] : memref<5x2x112xi32, #tpu.memory_space<vmem>> -> memref<1x1x112xi32, #tpu.memory_space<vmem>>
      %dma_wait3A_154 = tpu.memref_squeeze %dma_wait3A_153 : memref<1x1x112xi32, #tpu.memory_space<vmem>> -> memref<112xi32, #tpu.memory_space<vmem>>
      %dma_wait3A_155 = arith.constant 0 : i32
      %dma_wait3A_156 = arith.constant 0 : i32
      %dma_wait3A_157 = tpu.memref_slice %arg3[%dma_wait3A_155, %dma_wait3A_156] : memref<10240x128xf32, #tpu.memory_space<hbm>> -> memref<10240x128xf32, #tpu.memory_space<hbm>>
      tpu.wait_indirect_dma semaphore(%arg9 : memref<!tpu.dma_semaphore, #tpu.memory_space<semaphore_mem>>) src(%dma_wait3A_157 : memref<10240x128xf32, #tpu.memory_space<hbm>>) dst(%dma_wait3A_151 : memref<112x128xf32, #tpu.memory_space<vmem>>)
      %jit3A_158 = arith.constant 3 : i32
      %eq3A_159 = arith.constant 0 : i32
      %eq3A_160 = arith.cmpi eq, %jit3A_158, %eq3A_159 : i32
      %jit3A_161 = arith.constant 1 : i32
      %select_n3A_162 = arith.select %eq3A_160, %jit3A_161, %jit3A_158 : i32
      %rem3A_163 = arith.remsi %scan3A_105, %select_n3A_162 : i32
      %ne3A_164 = arith.constant 0 : i32
      %ne3A_165 = arith.cmpi ne, %rem3A_163, %ne3A_164 : i32
      %lt3A_166 = arith.constant 0 : i32
      %lt3A_167 = arith.cmpi slt, %rem3A_163, %lt3A_166 : i32
      %lt3A_168 = arith.constant 0 : i32
      %lt3A_169 = arith.cmpi slt, %select_n3A_162, %lt3A_168 : i32
      %ne3A_170 = arith.xori %lt3A_167, %lt3A_169 : i1
      %and3A_171 = arith.andi %ne3A_170, %ne3A_165 : i1
      %add3A_172 = arith.addi %rem3A_163, %select_n3A_162 : i32
      %select_n3A_173 = arith.select %and3A_171, %add3A_172, %rem3A_163 : i32
      %jit3A_174 = arith.constant 5 : i32
      %eq3A_175 = arith.constant 0 : i32
      %eq3A_176 = arith.cmpi eq, %jit3A_174, %eq3A_175 : i32
      %jit3A_177 = arith.constant 1 : i32
      %select_n3A_178 = arith.select %eq3A_176, %jit3A_177, %jit3A_174 : i32
      %rem3A_179 = arith.remsi %scan3A_105, %select_n3A_178 : i32
      %ne3A_180 = arith.constant 0 : i32
      %ne3A_181 = arith.cmpi ne, %rem3A_179, %ne3A_180 : i32
      %lt3A_182 = arith.constant 0 : i32
      %lt3A_183 = arith.cmpi slt, %rem3A_179, %lt3A_182 : i32
      %lt3A_184 = arith.constant 0 : i32
      %lt3A_185 = arith.cmpi slt, %select_n3A_178, %lt3A_184 : i32
      %ne3A_186 = arith.xori %lt3A_183, %lt3A_185 : i1
      %and3A_187 = arith.andi %ne3A_186, %ne3A_181 : i1
      %add3A_188 = arith.addi %rem3A_179, %select_n3A_178 : i32
      %select_n3A_189 = arith.select %and3A_187, %add3A_188, %rem3A_179 : i32
      %dma_start3A_190 = arith.constant 1 : i32
      %dma_start3A_191 = arith.constant 0 : i32
      %dma_start3A_192 = arith.constant 0 : i32
      %dma_start3A_193 = tpu.memref_slice %arg6[%select_n3A_173, %dma_start3A_191, %dma_start3A_192] : memref<3x112x128xf32, #tpu.memory_space<vmem>> -> memref<1x112x128xf32, #tpu.memory_space<vmem>>
      %dma_start3A_194 = tpu.memref_squeeze %dma_start3A_193 : memref<1x112x128xf32, #tpu.memory_space<vmem>> -> memref<112x128xf32, #tpu.memory_space<vmem>>
      %dma_start3A_195 = arith.constant 0 : i32
      %dma_start3A_196 = tpu.memref_slice %arg5[%select_n3A_189, %dma_start3A_190, %dma_start3A_195] : memref<5x2x112xi32, #tpu.memory_space<vmem>> -> memref<1x1x112xi32, #tpu.memory_space<vmem>>
      %dma_start3A_197 = tpu.memref_squeeze %dma_start3A_196 : memref<1x1x112xi32, #tpu.memory_space<vmem>> -> memref<112xi32, #tpu.memory_space<vmem>>
      %dma_start3A_198 = arith.constant 0 : i32
      %dma_start3A_199 = arith.constant 0 : i32
      %dma_start3A_200 = tpu.memref_slice %arg7[%dma_start3A_198, %dma_start3A_199] : memref<10240x128xf32, #tpu.memory_space<vmem_shared>> -> memref<10240x128xf32, #tpu.memory_space<vmem_shared>>
      tpu.enqueue_indirect_dma source(%dma_start3A_194 : memref<112x128xf32, #tpu.memory_space<vmem>>) target(%dma_start3A_200 : memref<10240x128xf32, #tpu.memory_space<vmem_shared>>) offsets(%dma_start3A_197 : memref<112xi32, #tpu.memory_space<vmem>>) semaphore(%arg10 : memref<!tpu.dma_semaphore, #tpu.memory_space<semaphore_mem>>) {add = true}
    }
    %scan3A_77 = arith.constant 90 : i32
    %dma_wait3A_78 = arith.constant 1 : i32
    %dma_wait3A_79 = arith.constant 3 : i32
    %dma_wait3A_80 = arith.constant 1 : i32
    %dma_wait3A_81 = arith.constant 0 : i32
    %dma_wait3A_82 = arith.constant 0 : i32
    %dma_wait3A_83 = tpu.memref_slice %arg6[%dma_wait3A_78, %dma_wait3A_81, %dma_wait3A_82] : memref<3x112x128xf32, #tpu.memory_space<vmem>> -> memref<1x112x128xf32, #tpu.memory_space<vmem>>
    %dma_wait3A_84 = tpu.memref_squeeze %dma_wait3A_83 : memref<1x112x128xf32, #tpu.memory_space<vmem>> -> memref<112x128xf32, #tpu.memory_space<vmem>>
    %dma_wait3A_85 = arith.constant 0 : i32
    %dma_wait3A_86 = tpu.memref_slice %arg5[%dma_wait3A_79, %dma_wait3A_80, %dma_wait3A_85] : memref<5x2x112xi32, #tpu.memory_space<vmem>> -> memref<1x1x112xi32, #tpu.memory_space<vmem>>
    %dma_wait3A_87 = tpu.memref_squeeze %dma_wait3A_86 : memref<1x1x112xi32, #tpu.memory_space<vmem>> -> memref<112xi32, #tpu.memory_space<vmem>>
    %dma_wait3A_88 = arith.constant 0 : i32
    %dma_wait3A_89 = arith.constant 0 : i32
    %dma_wait3A_90 = tpu.memref_slice %arg7[%dma_wait3A_88, %dma_wait3A_89] : memref<10240x128xf32, #tpu.memory_space<vmem_shared>> -> memref<10240x128xf32, #tpu.memory_space<vmem_shared>>
    tpu.wait_indirect_dma semaphore(%arg10 : memref<!tpu.dma_semaphore, #tpu.memory_space<semaphore_mem>>) src(%dma_wait3A_84 : memref<112x128xf32, #tpu.memory_space<vmem>>) dst(%dma_wait3A_90 : memref<10240x128xf32, #tpu.memory_space<vmem_shared>>)
    %dma_wait3A_91 = arith.constant 2 : i32
    %dma_wait3A_92 = arith.constant 4 : i32
    %dma_wait3A_93 = arith.constant 1 : i32
    %dma_wait3A_94 = arith.constant 0 : i32
    %dma_wait3A_95 = arith.constant 0 : i32
    %dma_wait3A_96 = tpu.memref_slice %arg6[%dma_wait3A_91, %dma_wait3A_94, %dma_wait3A_95] : memref<3x112x128xf32, #tpu.memory_space<vmem>> -> memref<1x112x128xf32, #tpu.memory_space<vmem>>
    %dma_wait3A_97 = tpu.memref_squeeze %dma_wait3A_96 : memref<1x112x128xf32, #tpu.memory_space<vmem>> -> memref<112x128xf32, #tpu.memory_space<vmem>>
    %dma_wait3A_98 = arith.constant 0 : i32
    %dma_wait3A_99 = tpu.memref_slice %arg5[%dma_wait3A_92, %dma_wait3A_93, %dma_wait3A_98] : memref<5x2x112xi32, #tpu.memory_space<vmem>> -> memref<1x1x112xi32, #tpu.memory_space<vmem>>
    %dma_wait3A_100 = tpu.memref_squeeze %dma_wait3A_99 : memref<1x1x112xi32, #tpu.memory_space<vmem>> -> memref<112xi32, #tpu.memory_space<vmem>>
    %dma_wait3A_101 = arith.constant 0 : i32
    %dma_wait3A_102 = arith.constant 0 : i32
    %dma_wait3A_103 = tpu.memref_slice %arg7[%dma_wait3A_101, %dma_wait3A_102] : memref<10240x128xf32, #tpu.memory_space<vmem_shared>> -> memref<10240x128xf32, #tpu.memory_space<vmem_shared>>
    tpu.wait_indirect_dma semaphore(%arg10 : memref<!tpu.dma_semaphore, #tpu.memory_space<semaphore_mem>>) src(%dma_wait3A_97 : memref<112x128xf32, #tpu.memory_space<vmem>>) dst(%dma_wait3A_103 : memref<10240x128xf32, #tpu.memory_space<vmem_shared>>)
    %barrier3A_104 = arith.constant 0 : index
    tpu.barrier barrier_id(%barrier3A_104)
    "tpu.region"() ({
      %run_scoped3A = tpu.sem_alloc : memref<!tpu.dma_semaphore, #tpu.memory_space<semaphore_mem>>
      %dma_start3A_105 = arith.constant 0 : i32
      %dma_start3A_106 = tpu.memref_slice %arg4[%arg0, %mul3A_4, %dma_start3A_105] : memref<2x10240x128xf32, #tpu.memory_space<hbm>> -> memref<1x640x128xf32, #tpu.memory_space<hbm>>
      %dma_start3A_107 = tpu.memref_squeeze %dma_start3A_106 : memref<1x640x128xf32, #tpu.memory_space<hbm>> -> memref<640x128xf32, #tpu.memory_space<hbm>>
      %dma_start3A_108 = arith.constant 0 : i32
      %dma_start3A_109 = tpu.memref_slice %arg7[%mul3A_4, %dma_start3A_108] : memref<10240x128xf32, #tpu.memory_space<vmem_shared>> -> memref<640x128xf32, #tpu.memory_space<vmem_shared>>
      tpu.enqueue_dma source(%dma_start3A_109 : memref<640x128xf32, #tpu.memory_space<vmem_shared>>) target(%dma_start3A_107 : memref<640x128xf32, #tpu.memory_space<hbm>>) target_semaphore(%run_scoped3A : memref<!tpu.dma_semaphore, #tpu.memory_space<semaphore_mem>>)
      %dma_wait3A_110 = arith.constant 0 : i32
      %dma_wait3A_111 = tpu.memref_slice %arg4[%arg0, %mul3A_4, %dma_wait3A_110] : memref<2x10240x128xf32, #tpu.memory_space<hbm>> -> memref<1x640x128xf32, #tpu.memory_space<hbm>>
      %dma_wait3A_112 = tpu.memref_squeeze %dma_wait3A_111 : memref<1x640x128xf32, #tpu.memory_space<hbm>> -> memref<640x128xf32, #tpu.memory_space<hbm>>
      %dma_wait3A_113 = arith.constant 0 : i32
      %dma_wait3A_114 = tpu.memref_slice %arg7[%mul3A_4, %dma_wait3A_113] : memref<10240x128xf32, #tpu.memory_space<vmem_shared>> -> memref<640x128xf32, #tpu.memory_space<vmem_shared>>
      tpu.wait_dma2 semaphore(%run_scoped3A : memref<!tpu.dma_semaphore, #tpu.memory_space<semaphore_mem>>) src(%dma_wait3A_114 : memref<640x128xf32, #tpu.memory_space<vmem_shared>>) dst(%dma_wait3A_112 : memref<640x128xf32, #tpu.memory_space<hbm>>)
      tpu.yield
    }) : () -> ()
    return
  }
}

#map = affine_map<(d0, d1) -> (0, 0, 0)>
#map1 = affine_map<(d0, d1) -> (0, 0)>
module attributes {stable_mosaic.version = 14 : i64} {
  func.func @_sc_spmm(%arg0: i32, %arg1: i32, %arg2: memref<2880x2x112xi32, #tpu.memory_space<hbm>>, %arg3: memref<10240x128xf32, #tpu.memory_space<hbm>>, %arg4: memref<2x10240x128xf32, #tpu.memory_space<hbm>>, %arg5: memref<5x2x112xi32, #tpu.memory_space<vmem>>, %arg6: memref<3x112x128xf32, #tpu.memory_space<vmem>>, %arg7: memref<10240x128xf32, #tpu.memory_space<vmem_shared>>, %arg8: memref<!tpu.dma_semaphore, #tpu.memory_space<semaphore_mem>>, %arg9: memref<!tpu.dma_semaphore, #tpu.memory_space<semaphore_mem>>, %arg10: memref<!tpu.dma_semaphore, #tpu.memory_space<semaphore_mem>>) attributes {dimension_semantics = [#tpu.dimension_semantics<core_parallel>, #tpu.dimension_semantics<subcore_parallel>], iteration_bounds = array<i64: 2, 16>, scalar_prefetch = 0 : i64, scratch_operands = 6 : i64, tpu.core_type = #tpu.core_type<sc_vector_subcore>, window_params = [{transform_indices = #map}, {transform_indices = #map1}, {transform_indices = #map}]} {
    %mul3A = arith.constant 2 : i32
    %mul3A_0 = arith.muli %arg1, %mul3A : i32
    %add3A = arith.addi %mul3A_0, %arg0 : i32
    %mul3A_1 = arith.constant 90 : i32
    %mul3A_2 = arith.muli %add3A, %mul3A_1 : i32
    %mul3A_3 = arith.constant 640 : i32
    %mul3A_4 = arith.muli %arg1, %mul3A_3 : i32
    %add3A_5 = arith.constant 0 : i32
    %add3A_6 = arith.addi %mul3A_2, %add3A_5 : i32
    %dma_start3A = arith.constant 0 : i32
    %dma_start3A_7 = arith.constant 0 : i32
    %dma_start3A_8 = arith.constant 0 : i32
    %dma_start3A_9 = tpu.memref_slice %arg5[%dma_start3A, %dma_start3A_7, %dma_start3A_8] : memref<5x2x112xi32, #tpu.memory_space<vmem>> -> memref<1x2x112xi32, #tpu.memory_space<vmem>>
    %dma_start3A_10 = tpu.memref_squeeze %dma_start3A_9 : memref<1x2x112xi32, #tpu.memory_space<vmem>> -> memref<2x112xi32, #tpu.memory_space<vmem>>
    %dma_start3A_11 = arith.constant 0 : i32
    %dma_start3A_12 = arith.constant 0 : i32
    %dma_start3A_13 = tpu.memref_slice %arg2[%add3A_6, %dma_start3A_11, %dma_start3A_12] : memref<2880x2x112xi32, #tpu.memory_space<hbm>> -> memref<1x2x112xi32, #tpu.memory_space<hbm>>
    %dma_start3A_14 = tpu.memref_squeeze %dma_start3A_13 : memref<1x2x112xi32, #tpu.memory_space<hbm>> -> memref<2x112xi32, #tpu.memory_space<hbm>>
    %dma_start3A_15 = arith.constant 0 : i32
    %dma_start3A_16 = arith.constant 0 : i32
    %dma_start3A_17 = tpu.memref_slice %arg5[%dma_start3A, %dma_start3A_15, %dma_start3A_16] : memref<5x2x112xi32, #tpu.memory_space<vmem>> -> memref<1x2x112xi32, #tpu.memory_space<vmem>>
    %dma_start3A_18 = tpu.memref_squeeze %dma_start3A_17 : memref<1x2x112xi32, #tpu.memory_space<vmem>> -> memref<2x112xi32, #tpu.memory_space<vmem>>
    %dma_start3A_19 = arith.constant 0 : i32
    %dma_start3A_20 = arith.constant 0 : i32
    %dma_start3A_21 = tpu.memref_slice %arg2[%add3A_6, %dma_start3A_19, %dma_start3A_20] : memref<2880x2x112xi32, #tpu.memory_space<hbm>> -> memref<1x2x112xi32, #tpu.memory_space<hbm>>
    %dma_start3A_22 = tpu.memref_squeeze %dma_start3A_21 : memref<1x2x112xi32, #tpu.memory_space<hbm>> -> memref<2x112xi32, #tpu.memory_space<hbm>>
    tpu.enqueue_dma source(%dma_start3A_22 : memref<2x112xi32, #tpu.memory_space<hbm>>) target(%dma_start3A_18 : memref<2x112xi32, #tpu.memory_space<vmem>>) target_semaphore(%arg8 : memref<!tpu.dma_semaphore, #tpu.memory_space<semaphore_mem>>)
    %add3A_23 = arith.constant 1 : i32
    %add3A_24 = arith.addi %mul3A_2, %add3A_23 : i32
    %dma_start3A_25 = arith.constant 1 : i32
    %dma_start3A_26 = arith.constant 0 : i32
    %dma_start3A_27 = arith.constant 0 : i32
    %dma_start3A_28 = tpu.memref_slice %arg5[%dma_start3A_25, %dma_start3A_26, %dma_start3A_27] : memref<5x2x112xi32, #tpu.memory_space<vmem>> -> memref<1x2x112xi32, #tpu.memory_space<vmem>>
    %dma_start3A_29 = tpu.memref_squeeze %dma_start3A_28 : memref<1x2x112xi32, #tpu.memory_space<vmem>> -> memref<2x112xi32, #tpu.memory_space<vmem>>
    %dma_start3A_30 = arith.constant 0 : i32
    %dma_start3A_31 = arith.constant 0 : i32
    %dma_start3A_32 = tpu.memref_slice %arg2[%add3A_24, %dma_start3A_30, %dma_start3A_31] : memref<2880x2x112xi32, #tpu.memory_space<hbm>> -> memref<1x2x112xi32, #tpu.memory_space<hbm>>
    %dma_start3A_33 = tpu.memref_squeeze %dma_start3A_32 : memref<1x2x112xi32, #tpu.memory_space<hbm>> -> memref<2x112xi32, #tpu.memory_space<hbm>>
    %dma_start3A_34 = arith.constant 0 : i32
    %dma_start3A_35 = arith.constant 0 : i32
    %dma_start3A_36 = tpu.memref_slice %arg5[%dma_start3A_25, %dma_start3A_34, %dma_start3A_35] : memref<5x2x112xi32, #tpu.memory_space<vmem>> -> memref<1x2x112xi32, #tpu.memory_space<vmem>>
    %dma_start3A_37 = tpu.memref_squeeze %dma_start3A_36 : memref<1x2x112xi32, #tpu.memory_space<vmem>> -> memref<2x112xi32, #tpu.memory_space<vmem>>
    %dma_start3A_38 = arith.constant 0 : i32
    %dma_start3A_39 = arith.constant 0 : i32
    %dma_start3A_40 = tpu.memref_slice %arg2[%add3A_24, %dma_start3A_38, %dma_start3A_39] : memref<2880x2x112xi32, #tpu.memory_space<hbm>> -> memref<1x2x112xi32, #tpu.memory_space<hbm>>
    %dma_start3A_41 = tpu.memref_squeeze %dma_start3A_40 : memref<1x2x112xi32, #tpu.memory_space<hbm>> -> memref<2x112xi32, #tpu.memory_space<hbm>>
    tpu.enqueue_dma source(%dma_start3A_41 : memref<2x112xi32, #tpu.memory_space<hbm>>) target(%dma_start3A_37 : memref<2x112xi32, #tpu.memory_space<vmem>>) target_semaphore(%arg8 : memref<!tpu.dma_semaphore, #tpu.memory_space<semaphore_mem>>)
    "tpu.region"() ({
      %run_scoped3A = tpu.sem_alloc : memref<!tpu.dma_semaphore, #tpu.memory_space<semaphore_mem>>
      %dma_start3A_105 = arith.constant 0 : i32
      %dma_start3A_106 = tpu.memref_slice %arg7[%mul3A_4, %dma_start3A_105] : memref<10240x128xf32, #tpu.memory_space<vmem_shared>> -> memref<640x128xf32, #tpu.memory_space<vmem_shared>>
      %dma_start3A_107 = arith.constant 0 : i32
      %dma_start3A_108 = tpu.memref_slice %arg3[%mul3A_4, %dma_start3A_107] : memref<10240x128xf32, #tpu.memory_space<hbm>> -> memref<640x128xf32, #tpu.memory_space<hbm>>
      tpu.enqueue_dma source(%dma_start3A_108 : memref<640x128xf32, #tpu.memory_space<hbm>>) target(%dma_start3A_106 : memref<640x128xf32, #tpu.memory_space<vmem_shared>>) target_semaphore(%run_scoped3A : memref<!tpu.dma_semaphore, #tpu.memory_space<semaphore_mem>>)
      %dma_wait3A_109 = arith.constant 0 : i32
      %dma_wait3A_110 = tpu.memref_slice %arg7[%mul3A_4, %dma_wait3A_109] : memref<10240x128xf32, #tpu.memory_space<vmem_shared>> -> memref<640x128xf32, #tpu.memory_space<vmem_shared>>
      %dma_wait3A_111 = arith.constant 0 : i32
      %dma_wait3A_112 = tpu.memref_slice %arg3[%mul3A_4, %dma_wait3A_111] : memref<10240x128xf32, #tpu.memory_space<hbm>> -> memref<640x128xf32, #tpu.memory_space<hbm>>
      tpu.wait_dma2 semaphore(%run_scoped3A : memref<!tpu.dma_semaphore, #tpu.memory_space<semaphore_mem>>) src(%dma_wait3A_112 : memref<640x128xf32, #tpu.memory_space<hbm>>) dst(%dma_wait3A_110 : memref<640x128xf32, #tpu.memory_space<vmem_shared>>)
      tpu.yield
    }) : () -> ()
    %barrier3A = arith.constant 0 : index
    tpu.barrier barrier_id(%barrier3A)
    %add3A_42 = arith.constant 0 : i32
    %add3A_43 = arith.addi %mul3A_2, %add3A_42 : i32
    %dma_wait3A = arith.constant 0 : i32
    %dma_wait3A_44 = arith.constant 0 : i32
    %dma_wait3A_45 = arith.constant 0 : i32
    %dma_wait3A_46 = tpu.memref_slice %arg5[%dma_wait3A, %dma_wait3A_44, %dma_wait3A_45] : memref<5x2x112xi32, #tpu.memory_space<vmem>> -> memref<1x2x112xi32, #tpu.memory_space<vmem>>
    %dma_wait3A_47 = tpu.memref_squeeze %dma_wait3A_46 : memref<1x2x112xi32, #tpu.memory_space<vmem>> -> memref<2x112xi32, #tpu.memory_space<vmem>>
    %dma_wait3A_48 = arith.constant 0 : i32
    %dma_wait3A_49 = arith.constant 0 : i32
    %dma_wait3A_50 = tpu.memref_slice %arg2[%add3A_43, %dma_wait3A_48, %dma_wait3A_49] : memref<2880x2x112xi32, #tpu.memory_space<hbm>> -> memref<1x2x112xi32, #tpu.memory_space<hbm>>
    %dma_wait3A_51 = tpu.memref_squeeze %dma_wait3A_50 : memref<1x2x112xi32, #tpu.memory_space<hbm>> -> memref<2x112xi32, #tpu.memory_space<hbm>>
    %dma_wait3A_52 = arith.constant 0 : i32
    %dma_wait3A_53 = arith.constant 0 : i32
    %dma_wait3A_54 = tpu.memref_slice %arg5[%dma_wait3A, %dma_wait3A_52, %dma_wait3A_53] : memref<5x2x112xi32, #tpu.memory_space<vmem>> -> memref<1x2x112xi32, #tpu.memory_space<vmem>>
    %dma_wait3A_55 = tpu.memref_squeeze %dma_wait3A_54 : memref<1x2x112xi32, #tpu.memory_space<vmem>> -> memref<2x112xi32, #tpu.memory_space<vmem>>
    %dma_wait3A_56 = arith.constant 0 : i32
    %dma_wait3A_57 = arith.constant 0 : i32
    %dma_wait3A_58 = tpu.memref_slice %arg2[%add3A_43, %dma_wait3A_56, %dma_wait3A_57] : memref<2880x2x112xi32, #tpu.memory_space<hbm>> -> memref<1x2x112xi32, #tpu.memory_space<hbm>>
    %dma_wait3A_59 = tpu.memref_squeeze %dma_wait3A_58 : memref<1x2x112xi32, #tpu.memory_space<hbm>> -> memref<2x112xi32, #tpu.memory_space<hbm>>
    tpu.wait_dma2 semaphore(%arg8 : memref<!tpu.dma_semaphore, #tpu.memory_space<semaphore_mem>>) src(%dma_wait3A_59 : memref<2x112xi32, #tpu.memory_space<hbm>>) dst(%dma_wait3A_55 : memref<2x112xi32, #tpu.memory_space<vmem>>)
    %dma_start3A_60 = arith.constant 0 : i32
    %dma_start3A_61 = arith.constant 0 : i32
    %dma_start3A_62 = arith.constant 0 : i32
    %dma_start3A_63 = arith.constant 0 : i32
    %dma_start3A_64 = arith.constant 0 : i32
    %dma_start3A_65 = tpu.memref_slice %arg6[%dma_start3A_62, %dma_start3A_63, %dma_start3A_64] : memref<3x112x128xf32, #tpu.memory_space<vmem>> -> memref<1x112x128xf32, #tpu.memory_space<vmem>>
    %dma_start3A_66 = tpu.memref_squeeze %dma_start3A_65 : memref<1x112x128xf32, #tpu.memory_space<vmem>> -> memref<112x128xf32, #tpu.memory_space<vmem>>
    %dma_start3A_67 = arith.constant 0 : i32
    %dma_start3A_68 = tpu.memref_slice %arg5[%dma_start3A_60, %dma_start3A_61, %dma_start3A_67] : memref<5x2x112xi32, #tpu.memory_space<vmem>> -> memref<1x1x112xi32, #tpu.memory_space<vmem>>
    %dma_start3A_69 = tpu.memref_squeeze %dma_start3A_68 : memref<1x1x112xi32, #tpu.memory_space<vmem>> -> memref<112xi32, #tpu.memory_space<vmem>>
    %dma_start3A_70 = arith.constant 0 : i32
    %dma_start3A_71 = arith.constant 0 : i32
    %dma_start3A_72 = tpu.memref_slice %arg3[%dma_start3A_70, %dma_start3A_71] : memref<10240x128xf32, #tpu.memory_space<hbm>> -> memref<10240x128xf32, #tpu.memory_space<hbm>>
    tpu.enqueue_indirect_dma source(%dma_start3A_72 : memref<10240x128xf32, #tpu.memory_space<hbm>>) target(%dma_start3A_66 : memref<112x128xf32, #tpu.memory_space<vmem>>) offsets(%dma_start3A_69 : memref<112xi32, #tpu.memory_space<vmem>>) semaphore(%arg9 : memref<!tpu.dma_semaphore, #tpu.memory_space<semaphore_mem>>)
    %scan3A = arith.constant 0 : i32
    %scan3A_73 = arith.constant 0 : i32
    %scan3A_74 = arith.constant 90 : i32
    %scan3A_75 = arith.addi %scan3A_73, %scan3A_74 : i32
    %scan3A_76 = arith.constant 1 : i32
    scf.for %scan3A_105 = %scan3A_73 to %scan3A_75 step %scan3A_76  : i32 {
      %ge3A = arith.constant 2 : i32
      %ge3A_106 = arith.cmpi sge, %scan3A_105, %ge3A : i32
      %convert_element_type3A = arith.extui %ge3A_106 : i1 to i32
      %cond3A = arith.constant 0 : i32
      %cond3A_107 = arith.cmpi ne, %convert_element_type3A, %cond3A : i32
      scf.if %cond3A_107 {
        %sub3A = arith.constant 2 : i32
        %sub3A_201 = arith.subi %scan3A_105, %sub3A : i32
        %jit3A_202 = arith.constant 3 : i32
        %eq3A_203 = arith.constant 0 : i32
        %eq3A_204 = arith.cmpi eq, %jit3A_202, %eq3A_203 : i32
        %jit3A_205 = arith.constant 1 : i32
        %select_n3A_206 = arith.select %eq3A_204, %jit3A_205, %jit3A_202 : i32
        %rem3A_207 = arith.remsi %sub3A_201, %select_n3A_206 : i32
        %ne3A_208 = arith.constant 0 : i32
        %ne3A_209 = arith.cmpi ne, %rem3A_207, %ne3A_208 : i32
        %lt3A_210 = arith.constant 0 : i32
        %lt3A_211 = arith.cmpi slt, %rem3A_207, %lt3A_210 : i32
        %lt3A_212 = arith.constant 0 : i32
        %lt3A_213 = arith.cmpi slt, %select_n3A_206, %lt3A_212 : i32
        %ne3A_214 = arith.xori %lt3A_211, %lt3A_213 : i1
        %and3A_215 = arith.andi %ne3A_214, %ne3A_209 : i1
        %add3A_216 = arith.addi %rem3A_207, %select_n3A_206 : i32
        %select_n3A_217 = arith.select %and3A_215, %add3A_216, %rem3A_207 : i32
        %jit3A_218 = arith.constant 5 : i32
        %eq3A_219 = arith.constant 0 : i32
        %eq3A_220 = arith.cmpi eq, %jit3A_218, %eq3A_219 : i32
        %jit3A_221 = arith.constant 1 : i32
        %select_n3A_222 = arith.select %eq3A_220, %jit3A_221, %jit3A_218 : i32
        %rem3A_223 = arith.remsi %sub3A_201, %select_n3A_222 : i32
        %ne3A_224 = arith.constant 0 : i32
        %ne3A_225 = arith.cmpi ne, %rem3A_223, %ne3A_224 : i32
        %lt3A_226 = arith.constant 0 : i32
        %lt3A_227 = arith.cmpi slt, %rem3A_223, %lt3A_226 : i32
        %lt3A_228 = arith.constant 0 : i32
        %lt3A_229 = arith.cmpi slt, %select_n3A_222, %lt3A_228 : i32
        %ne3A_230 = arith.xori %lt3A_227, %lt3A_229 : i1
        %and3A_231 = arith.andi %ne3A_230, %ne3A_225 : i1
        %add3A_232 = arith.addi %rem3A_223, %select_n3A_222 : i32
        %select_n3A_233 = arith.select %and3A_231, %add3A_232, %rem3A_223 : i32
        %dma_wait3A_234 = arith.constant 1 : i32
        %dma_wait3A_235 = arith.constant 0 : i32
        %dma_wait3A_236 = arith.constant 0 : i32
        %dma_wait3A_237 = tpu.memref_slice %arg6[%select_n3A_217, %dma_wait3A_235, %dma_wait3A_236] : memref<3x112x128xf32, #tpu.memory_space<vmem>> -> memref<1x112x128xf32, #tpu.memory_space<vmem>>
        %dma_wait3A_238 = tpu.memref_squeeze %dma_wait3A_237 : memref<1x112x128xf32, #tpu.memory_space<vmem>> -> memref<112x128xf32, #tpu.memory_space<vmem>>
        %dma_wait3A_239 = arith.constant 0 : i32
        %dma_wait3A_240 = tpu.memref_slice %arg5[%select_n3A_233, %dma_wait3A_234, %dma_wait3A_239] : memref<5x2x112xi32, #tpu.memory_space<vmem>> -> memref<1x1x112xi32, #tpu.memory_space<vmem>>
        %dma_wait3A_241 = tpu.memref_squeeze %dma_wait3A_240 : memref<1x1x112xi32, #tpu.memory_space<vmem>> -> memref<112xi32, #tpu.memory_space<vmem>>
        %dma_wait3A_242 = arith.constant 0 : i32
        %dma_wait3A_243 = arith.constant 0 : i32
        %dma_wait3A_244 = tpu.memref_slice %arg7[%dma_wait3A_242, %dma_wait3A_243] : memref<10240x128xf32, #tpu.memory_space<vmem_shared>> -> memref<10240x128xf32, #tpu.memory_space<vmem_shared>>
        tpu.wait_indirect_dma semaphore(%arg10 : memref<!tpu.dma_semaphore, #tpu.memory_space<semaphore_mem>>) src(%dma_wait3A_238 : memref<112x128xf32, #tpu.memory_space<vmem>>) dst(%dma_wait3A_244 : memref<10240x128xf32, #tpu.memory_space<vmem_shared>>)
      } else {
      }
      %add3A_108 = arith.constant 2 : i32
      %add3A_109 = arith.addi %scan3A_105, %add3A_108 : i32
      %lt3A = arith.constant 90 : i32
      %lt3A_110 = arith.cmpi slt, %add3A_109, %lt3A : i32
      %convert_element_type3A_111 = arith.extui %lt3A_110 : i1 to i32
      %cond3A_112 = arith.constant 0 : i32
      %cond3A_113 = arith.cmpi ne, %convert_element_type3A_111, %cond3A_112 : i32
      scf.if %cond3A_113 {
        %add3A_201 = arith.constant 2 : i32
        %add3A_202 = arith.addi %scan3A_105, %add3A_201 : i32
        %add3A_203 = arith.addi %mul3A_2, %add3A_202 : i32
        %jit3A_204 = arith.constant 5 : i32
        %eq3A_205 = arith.constant 0 : i32
        %eq3A_206 = arith.cmpi eq, %jit3A_204, %eq3A_205 : i32
        %jit3A_207 = arith.constant 1 : i32
        %select_n3A_208 = arith.select %eq3A_206, %jit3A_207, %jit3A_204 : i32
        %rem3A_209 = arith.remsi %add3A_202, %select_n3A_208 : i32
        %ne3A_210 = arith.constant 0 : i32
        %ne3A_211 = arith.cmpi ne, %rem3A_209, %ne3A_210 : i32
        %lt3A_212 = arith.constant 0 : i32
        %lt3A_213 = arith.cmpi slt, %rem3A_209, %lt3A_212 : i32
        %lt3A_214 = arith.constant 0 : i32
        %lt3A_215 = arith.cmpi slt, %select_n3A_208, %lt3A_214 : i32
        %ne3A_216 = arith.xori %lt3A_213, %lt3A_215 : i1
        %and3A_217 = arith.andi %ne3A_216, %ne3A_211 : i1
        %add3A_218 = arith.addi %rem3A_209, %select_n3A_208 : i32
        %select_n3A_219 = arith.select %and3A_217, %add3A_218, %rem3A_209 : i32
        %dma_start3A_220 = arith.constant 0 : i32
        %dma_start3A_221 = arith.constant 0 : i32
        %dma_start3A_222 = tpu.memref_slice %arg5[%select_n3A_219, %dma_start3A_220, %dma_start3A_221] : memref<5x2x112xi32, #tpu.memory_space<vmem>> -> memref<1x2x112xi32, #tpu.memory_space<vmem>>
        %dma_start3A_223 = tpu.memref_squeeze %dma_start3A_222 : memref<1x2x112xi32, #tpu.memory_space<vmem>> -> memref<2x112xi32, #tpu.memory_space<vmem>>
        %dma_start3A_224 = arith.constant 0 : i32
        %dma_start3A_225 = arith.constant 0 : i32
        %dma_start3A_226 = tpu.memref_slice %arg2[%add3A_203, %dma_start3A_224, %dma_start3A_225] : memref<2880x2x112xi32, #tpu.memory_space<hbm>> -> memref<1x2x112xi32, #tpu.memory_space<hbm>>
        %dma_start3A_227 = tpu.memref_squeeze %dma_start3A_226 : memref<1x2x112xi32, #tpu.memory_space<hbm>> -> memref<2x112xi32, #tpu.memory_space<hbm>>
        %dma_start3A_228 = arith.constant 0 : i32
        %dma_start3A_229 = arith.constant 0 : i32
        %dma_start3A_230 = tpu.memref_slice %arg5[%select_n3A_219, %dma_start3A_228, %dma_start3A_229] : memref<5x2x112xi32, #tpu.memory_space<vmem>> -> memref<1x2x112xi32, #tpu.memory_space<vmem>>
        %dma_start3A_231 = tpu.memref_squeeze %dma_start3A_230 : memref<1x2x112xi32, #tpu.memory_space<vmem>> -> memref<2x112xi32, #tpu.memory_space<vmem>>
        %dma_start3A_232 = arith.constant 0 : i32
        %dma_start3A_233 = arith.constant 0 : i32
        %dma_start3A_234 = tpu.memref_slice %arg2[%add3A_203, %dma_start3A_232, %dma_start3A_233] : memref<2880x2x112xi32, #tpu.memory_space<hbm>> -> memref<1x2x112xi32, #tpu.memory_space<hbm>>
        %dma_start3A_235 = tpu.memref_squeeze %dma_start3A_234 : memref<1x2x112xi32, #tpu.memory_space<hbm>> -> memref<2x112xi32, #tpu.memory_space<hbm>>
        tpu.enqueue_dma source(%dma_start3A_235 : memref<2x112xi32, #tpu.memory_space<hbm>>) target(%dma_start3A_231 : memref<2x112xi32, #tpu.memory_space<vmem>>) target_semaphore(%arg8 : memref<!tpu.dma_semaphore, #tpu.memory_space<semaphore_mem>>)
      } else {
      }
      %add3A_114 = arith.constant 1 : i32
      %add3A_115 = arith.addi %scan3A_105, %add3A_114 : i32
      %lt3A_116 = arith.constant 90 : i32
      %lt3A_117 = arith.cmpi slt, %add3A_115, %lt3A_116 : i32
      %convert_element_type3A_118 = arith.extui %lt3A_117 : i1 to i32
      %cond3A_119 = arith.constant 0 : i32
      %cond3A_120 = arith.cmpi ne, %convert_element_type3A_118, %cond3A_119 : i32
      scf.if %cond3A_120 {
        %add3A_201 = arith.constant 1 : i32
        %add3A_202 = arith.addi %scan3A_105, %add3A_201 : i32
        %add3A_203 = arith.addi %mul3A_2, %add3A_202 : i32
        %jit3A_204 = arith.constant 5 : i32
        %eq3A_205 = arith.constant 0 : i32
        %eq3A_206 = arith.cmpi eq, %jit3A_204, %eq3A_205 : i32
        %jit3A_207 = arith.constant 1 : i32
        %select_n3A_208 = arith.select %eq3A_206, %jit3A_207, %jit3A_204 : i32
        %rem3A_209 = arith.remsi %add3A_202, %select_n3A_208 : i32
        %ne3A_210 = arith.constant 0 : i32
        %ne3A_211 = arith.cmpi ne, %rem3A_209, %ne3A_210 : i32
        %lt3A_212 = arith.constant 0 : i32
        %lt3A_213 = arith.cmpi slt, %rem3A_209, %lt3A_212 : i32
        %lt3A_214 = arith.constant 0 : i32
        %lt3A_215 = arith.cmpi slt, %select_n3A_208, %lt3A_214 : i32
        %ne3A_216 = arith.xori %lt3A_213, %lt3A_215 : i1
        %and3A_217 = arith.andi %ne3A_216, %ne3A_211 : i1
        %add3A_218 = arith.addi %rem3A_209, %select_n3A_208 : i32
        %select_n3A_219 = arith.select %and3A_217, %add3A_218, %rem3A_209 : i32
        %dma_wait3A_220 = arith.constant 0 : i32
        %dma_wait3A_221 = arith.constant 0 : i32
        %dma_wait3A_222 = tpu.memref_slice %arg5[%select_n3A_219, %dma_wait3A_220, %dma_wait3A_221] : memref<5x2x112xi32, #tpu.memory_space<vmem>> -> memref<1x2x112xi32, #tpu.memory_space<vmem>>
        %dma_wait3A_223 = tpu.memref_squeeze %dma_wait3A_222 : memref<1x2x112xi32, #tpu.memory_space<vmem>> -> memref<2x112xi32, #tpu.memory_space<vmem>>
        %dma_wait3A_224 = arith.constant 0 : i32
        %dma_wait3A_225 = arith.constant 0 : i32
        %dma_wait3A_226 = tpu.memref_slice %arg2[%add3A_203, %dma_wait3A_224, %dma_wait3A_225] : memref<2880x2x112xi32, #tpu.memory_space<hbm>> -> memref<1x2x112xi32, #tpu.memory_space<hbm>>
        %dma_wait3A_227 = tpu.memref_squeeze %dma_wait3A_226 : memref<1x2x112xi32, #tpu.memory_space<hbm>> -> memref<2x112xi32, #tpu.memory_space<hbm>>
        %dma_wait3A_228 = arith.constant 0 : i32
        %dma_wait3A_229 = arith.constant 0 : i32
        %dma_wait3A_230 = tpu.memref_slice %arg5[%select_n3A_219, %dma_wait3A_228, %dma_wait3A_229] : memref<5x2x112xi32, #tpu.memory_space<vmem>> -> memref<1x2x112xi32, #tpu.memory_space<vmem>>
        %dma_wait3A_231 = tpu.memref_squeeze %dma_wait3A_230 : memref<1x2x112xi32, #tpu.memory_space<vmem>> -> memref<2x112xi32, #tpu.memory_space<vmem>>
        %dma_wait3A_232 = arith.constant 0 : i32
        %dma_wait3A_233 = arith.constant 0 : i32
        %dma_wait3A_234 = tpu.memref_slice %arg2[%add3A_203, %dma_wait3A_232, %dma_wait3A_233] : memref<2880x2x112xi32, #tpu.memory_space<hbm>> -> memref<1x2x112xi32, #tpu.memory_space<hbm>>
        %dma_wait3A_235 = tpu.memref_squeeze %dma_wait3A_234 : memref<1x2x112xi32, #tpu.memory_space<hbm>> -> memref<2x112xi32, #tpu.memory_space<hbm>>
        tpu.wait_dma2 semaphore(%arg8 : memref<!tpu.dma_semaphore, #tpu.memory_space<semaphore_mem>>) src(%dma_wait3A_235 : memref<2x112xi32, #tpu.memory_space<hbm>>) dst(%dma_wait3A_231 : memref<2x112xi32, #tpu.memory_space<vmem>>)
        %add3A_236 = arith.constant 1 : i32
        %add3A_237 = arith.addi %scan3A_105, %add3A_236 : i32
        %jit3A_238 = arith.constant 5 : i32
        %eq3A_239 = arith.constant 0 : i32
        %eq3A_240 = arith.cmpi eq, %jit3A_238, %eq3A_239 : i32
        %jit3A_241 = arith.constant 1 : i32
        %select_n3A_242 = arith.select %eq3A_240, %jit3A_241, %jit3A_238 : i32
        %rem3A_243 = arith.remsi %add3A_237, %select_n3A_242 : i32
        %ne3A_244 = arith.constant 0 : i32
        %ne3A_245 = arith.cmpi ne, %rem3A_243, %ne3A_244 : i32
        %lt3A_246 = arith.constant 0 : i32
        %lt3A_247 = arith.cmpi slt, %rem3A_243, %lt3A_246 : i32
        %lt3A_248 = arith.constant 0 : i32
        %lt3A_249 = arith.cmpi slt, %select_n3A_242, %lt3A_248 : i32
        %ne3A_250 = arith.xori %lt3A_247, %lt3A_249 : i1
        %and3A_251 = arith.andi %ne3A_250, %ne3A_245 : i1
        %add3A_252 = arith.addi %rem3A_243, %select_n3A_242 : i32
        %select_n3A_253 = arith.select %and3A_251, %add3A_252, %rem3A_243 : i32
        %jit3A_254 = arith.constant 3 : i32
        %eq3A_255 = arith.constant 0 : i32
        %eq3A_256 = arith.cmpi eq, %jit3A_254, %eq3A_255 : i32
        %jit3A_257 = arith.constant 1 : i32
        %select_n3A_258 = arith.select %eq3A_256, %jit3A_257, %jit3A_254 : i32
        %rem3A_259 = arith.remsi %add3A_237, %select_n3A_258 : i32
        %ne3A_260 = arith.constant 0 : i32
        %ne3A_261 = arith.cmpi ne, %rem3A_259, %ne3A_260 : i32
        %lt3A_262 = arith.constant 0 : i32
        %lt3A_263 = arith.cmpi slt, %rem3A_259, %lt3A_262 : i32
        %lt3A_264 = arith.constant 0 : i32
        %lt3A_265 = arith.cmpi slt, %select_n3A_258, %lt3A_264 : i32
        %ne3A_266 = arith.xori %lt3A_263, %lt3A_265 : i1
        %and3A_267 = arith.andi %ne3A_266, %ne3A_261 : i1
        %add3A_268 = arith.addi %rem3A_259, %select_n3A_258 : i32
        %select_n3A_269 = arith.select %and3A_267, %add3A_268, %rem3A_259 : i32
        %dma_start3A_270 = arith.constant 0 : i32
        %dma_start3A_271 = arith.constant 0 : i32
        %dma_start3A_272 = arith.constant 0 : i32
        %dma_start3A_273 = tpu.memref_slice %arg6[%select_n3A_269, %dma_start3A_271, %dma_start3A_272] : memref<3x112x128xf32, #tpu.memory_space<vmem>> -> memref<1x112x128xf32, #tpu.memory_space<vmem>>
        %dma_start3A_274 = tpu.memref_squeeze %dma_start3A_273 : memref<1x112x128xf32, #tpu.memory_space<vmem>> -> memref<112x128xf32, #tpu.memory_space<vmem>>
        %dma_start3A_275 = arith.constant 0 : i32
        %dma_start3A_276 = tpu.memref_slice %arg5[%select_n3A_253, %dma_start3A_270, %dma_start3A_275] : memref<5x2x112xi32, #tpu.memory_space<vmem>> -> memref<1x1x112xi32, #tpu.memory_space<vmem>>
        %dma_start3A_277 = tpu.memref_squeeze %dma_start3A_276 : memref<1x1x112xi32, #tpu.memory_space<vmem>> -> memref<112xi32, #tpu.memory_space<vmem>>
        %dma_start3A_278 = arith.constant 0 : i32
        %dma_start3A_279 = arith.constant 0 : i32
        %dma_start3A_280 = tpu.memref_slice %arg3[%dma_start3A_278, %dma_start3A_279] : memref<10240x128xf32, #tpu.memory_space<hbm>> -> memref<10240x128xf32, #tpu.memory_space<hbm>>
        tpu.enqueue_indirect_dma source(%dma_start3A_280 : memref<10240x128xf32, #tpu.memory_space<hbm>>) target(%dma_start3A_274 : memref<112x128xf32, #tpu.memory_space<vmem>>) offsets(%dma_start3A_277 : memref<112xi32, #tpu.memory_space<vmem>>) semaphore(%arg9 : memref<!tpu.dma_semaphore, #tpu.memory_space<semaphore_mem>>)
      } else {
      }
      %jit3A = arith.constant 5 : i32
      %eq3A = arith.constant 0 : i32
      %eq3A_121 = arith.cmpi eq, %jit3A, %eq3A : i32
      %jit3A_122 = arith.constant 1 : i32
      %select_n3A = arith.select %eq3A_121, %jit3A_122, %jit3A : i32
      %rem3A = arith.remsi %scan3A_105, %select_n3A : i32
      %ne3A = arith.constant 0 : i32
      %ne3A_123 = arith.cmpi ne, %rem3A, %ne3A : i32
      %lt3A_124 = arith.constant 0 : i32
      %lt3A_125 = arith.cmpi slt, %rem3A, %lt3A_124 : i32
      %lt3A_126 = arith.constant 0 : i32
      %lt3A_127 = arith.cmpi slt, %select_n3A, %lt3A_126 : i32
      %ne3A_128 = arith.xori %lt3A_125, %lt3A_127 : i1
      %and3A = arith.andi %ne3A_128, %ne3A_123 : i1
      %add3A_129 = arith.addi %rem3A, %select_n3A : i32
      %select_n3A_130 = arith.select %and3A, %add3A_129, %rem3A : i32
      %jit3A_131 = arith.constant 3 : i32
      %eq3A_132 = arith.constant 0 : i32
      %eq3A_133 = arith.cmpi eq, %jit3A_131, %eq3A_132 : i32
      %jit3A_134 = arith.constant 1 : i32
      %select_n3A_135 = arith.select %eq3A_133, %jit3A_134, %jit3A_131 : i32
      %rem3A_136 = arith.remsi %scan3A_105, %select_n3A_135 : i32
      %ne3A_137 = arith.constant 0 : i32
      %ne3A_138 = arith.cmpi ne, %rem3A_136, %ne3A_137 : i32
      %lt3A_139 = arith.constant 0 : i32
      %lt3A_140 = arith.cmpi slt, %rem3A_136, %lt3A_139 : i32
      %lt3A_141 = arith.constant 0 : i32
      %lt3A_142 = arith.cmpi slt, %select_n3A_135, %lt3A_141 : i32
      %ne3A_143 = arith.xori %lt3A_140, %lt3A_142 : i1
      %and3A_144 = arith.andi %ne3A_143, %ne3A_138 : i1
      %add3A_145 = arith.addi %rem3A_136, %select_n3A_135 : i32
      %select_n3A_146 = arith.select %and3A_144, %add3A_145, %rem3A_136 : i32
      %dma_wait3A_147 = arith.constant 0 : i32
      %dma_wait3A_148 = arith.constant 0 : i32
      %dma_wait3A_149 = arith.constant 0 : i32
      %dma_wait3A_150 = tpu.memref_slice %arg6[%select_n3A_146, %dma_wait3A_148, %dma_wait3A_149] : memref<3x112x128xf32, #tpu.memory_space<vmem>> -> memref<1x112x128xf32, #tpu.memory_space<vmem>>
      %dma_wait3A_151 = tpu.memref_squeeze %dma_wait3A_150 : memref<1x112x128xf32, #tpu.memory_space<vmem>> -> memref<112x128xf32, #tpu.memory_space<vmem>>
      %dma_wait3A_152 = arith.constant 0 : i32
      %dma_wait3A_153 = tpu.memref_slice %arg5[%select_n3A_130, %dma_wait3A_147, %dma_wait3A_152] : memref<5x2x112xi32, #tpu.memory_space<vmem>> -> memref<1x1x112xi32, #tpu.memory_space<vmem>>
      %dma_wait3A_154 = tpu.memref_squeeze %dma_wait3A_153 : memref<1x1x112xi32, #tpu.memory_space<vmem>> -> memref<112xi32, #tpu.memory_space<vmem>>
      %dma_wait3A_155 = arith.constant 0 : i32
      %dma_wait3A_156 = arith.constant 0 : i32
      %dma_wait3A_157 = tpu.memref_slice %arg3[%dma_wait3A_155, %dma_wait3A_156] : memref<10240x128xf32, #tpu.memory_space<hbm>> -> memref<10240x128xf32, #tpu.memory_space<hbm>>
      tpu.wait_indirect_dma semaphore(%arg9 : memref<!tpu.dma_semaphore, #tpu.memory_space<semaphore_mem>>) src(%dma_wait3A_157 : memref<10240x128xf32, #tpu.memory_space<hbm>>) dst(%dma_wait3A_151 : memref<112x128xf32, #tpu.memory_space<vmem>>)
      %jit3A_158 = arith.constant 3 : i32
      %eq3A_159 = arith.constant 0 : i32
      %eq3A_160 = arith.cmpi eq, %jit3A_158, %eq3A_159 : i32
      %jit3A_161 = arith.constant 1 : i32
      %select_n3A_162 = arith.select %eq3A_160, %jit3A_161, %jit3A_158 : i32
      %rem3A_163 = arith.remsi %scan3A_105, %select_n3A_162 : i32
      %ne3A_164 = arith.constant 0 : i32
      %ne3A_165 = arith.cmpi ne, %rem3A_163, %ne3A_164 : i32
      %lt3A_166 = arith.constant 0 : i32
      %lt3A_167 = arith.cmpi slt, %rem3A_163, %lt3A_166 : i32
      %lt3A_168 = arith.constant 0 : i32
      %lt3A_169 = arith.cmpi slt, %select_n3A_162, %lt3A_168 : i32
      %ne3A_170 = arith.xori %lt3A_167, %lt3A_169 : i1
      %and3A_171 = arith.andi %ne3A_170, %ne3A_165 : i1
      %add3A_172 = arith.addi %rem3A_163, %select_n3A_162 : i32
      %select_n3A_173 = arith.select %and3A_171, %add3A_172, %rem3A_163 : i32
      %jit3A_174 = arith.constant 5 : i32
      %eq3A_175 = arith.constant 0 : i32
      %eq3A_176 = arith.cmpi eq, %jit3A_174, %eq3A_175 : i32
      %jit3A_177 = arith.constant 1 : i32
      %select_n3A_178 = arith.select %eq3A_176, %jit3A_177, %jit3A_174 : i32
      %rem3A_179 = arith.remsi %scan3A_105, %select_n3A_178 : i32
      %ne3A_180 = arith.constant 0 : i32
      %ne3A_181 = arith.cmpi ne, %rem3A_179, %ne3A_180 : i32
      %lt3A_182 = arith.constant 0 : i32
      %lt3A_183 = arith.cmpi slt, %rem3A_179, %lt3A_182 : i32
      %lt3A_184 = arith.constant 0 : i32
      %lt3A_185 = arith.cmpi slt, %select_n3A_178, %lt3A_184 : i32
      %ne3A_186 = arith.xori %lt3A_183, %lt3A_185 : i1
      %and3A_187 = arith.andi %ne3A_186, %ne3A_181 : i1
      %add3A_188 = arith.addi %rem3A_179, %select_n3A_178 : i32
      %select_n3A_189 = arith.select %and3A_187, %add3A_188, %rem3A_179 : i32
      %dma_start3A_190 = arith.constant 1 : i32
      %dma_start3A_191 = arith.constant 0 : i32
      %dma_start3A_192 = arith.constant 0 : i32
      %dma_start3A_193 = tpu.memref_slice %arg6[%select_n3A_173, %dma_start3A_191, %dma_start3A_192] : memref<3x112x128xf32, #tpu.memory_space<vmem>> -> memref<1x112x128xf32, #tpu.memory_space<vmem>>
      %dma_start3A_194 = tpu.memref_squeeze %dma_start3A_193 : memref<1x112x128xf32, #tpu.memory_space<vmem>> -> memref<112x128xf32, #tpu.memory_space<vmem>>
      %dma_start3A_195 = arith.constant 0 : i32
      %dma_start3A_196 = tpu.memref_slice %arg5[%select_n3A_189, %dma_start3A_190, %dma_start3A_195] : memref<5x2x112xi32, #tpu.memory_space<vmem>> -> memref<1x1x112xi32, #tpu.memory_space<vmem>>
      %dma_start3A_197 = tpu.memref_squeeze %dma_start3A_196 : memref<1x1x112xi32, #tpu.memory_space<vmem>> -> memref<112xi32, #tpu.memory_space<vmem>>
      %dma_start3A_198 = arith.constant 0 : i32
      %dma_start3A_199 = arith.constant 0 : i32
      %dma_start3A_200 = tpu.memref_slice %arg7[%dma_start3A_198, %dma_start3A_199] : memref<10240x128xf32, #tpu.memory_space<vmem_shared>> -> memref<10240x128xf32, #tpu.memory_space<vmem_shared>>
      tpu.enqueue_indirect_dma source(%dma_start3A_194 : memref<112x128xf32, #tpu.memory_space<vmem>>) target(%dma_start3A_200 : memref<10240x128xf32, #tpu.memory_space<vmem_shared>>) offsets(%dma_start3A_197 : memref<112xi32, #tpu.memory_space<vmem>>) semaphore(%arg10 : memref<!tpu.dma_semaphore, #tpu.memory_space<semaphore_mem>>) {add = true}
    }
    %scan3A_77 = arith.constant 90 : i32
    %dma_wait3A_78 = arith.constant 1 : i32
    %dma_wait3A_79 = arith.constant 3 : i32
    %dma_wait3A_80 = arith.constant 1 : i32
    %dma_wait3A_81 = arith.constant 0 : i32
    %dma_wait3A_82 = arith.constant 0 : i32
    %dma_wait3A_83 = tpu.memref_slice %arg6[%dma_wait3A_78, %dma_wait3A_81, %dma_wait3A_82] : memref<3x112x128xf32, #tpu.memory_space<vmem>> -> memref<1x112x128xf32, #tpu.memory_space<vmem>>
    %dma_wait3A_84 = tpu.memref_squeeze %dma_wait3A_83 : memref<1x112x128xf32, #tpu.memory_space<vmem>> -> memref<112x128xf32, #tpu.memory_space<vmem>>
    %dma_wait3A_85 = arith.constant 0 : i32
    %dma_wait3A_86 = tpu.memref_slice %arg5[%dma_wait3A_79, %dma_wait3A_80, %dma_wait3A_85] : memref<5x2x112xi32, #tpu.memory_space<vmem>> -> memref<1x1x112xi32, #tpu.memory_space<vmem>>
    %dma_wait3A_87 = tpu.memref_squeeze %dma_wait3A_86 : memref<1x1x112xi32, #tpu.memory_space<vmem>> -> memref<112xi32, #tpu.memory_space<vmem>>
    %dma_wait3A_88 = arith.constant 0 : i32
    %dma_wait3A_89 = arith.constant 0 : i32
    %dma_wait3A_90 = tpu.memref_slice %arg7[%dma_wait3A_88, %dma_wait3A_89] : memref<10240x128xf32, #tpu.memory_space<vmem_shared>> -> memref<10240x128xf32, #tpu.memory_space<vmem_shared>>
    tpu.wait_indirect_dma semaphore(%arg10 : memref<!tpu.dma_semaphore, #tpu.memory_space<semaphore_mem>>) src(%dma_wait3A_84 : memref<112x128xf32, #tpu.memory_space<vmem>>) dst(%dma_wait3A_90 : memref<10240x128xf32, #tpu.memory_space<vmem_shared>>)
    %dma_wait3A_91 = arith.constant 2 : i32
    %dma_wait3A_92 = arith.constant 4 : i32
    %dma_wait3A_93 = arith.constant 1 : i32
    %dma_wait3A_94 = arith.constant 0 : i32
    %dma_wait3A_95 = arith.constant 0 : i32
    %dma_wait3A_96 = tpu.memref_slice %arg6[%dma_wait3A_91, %dma_wait3A_94, %dma_wait3A_95] : memref<3x112x128xf32, #tpu.memory_space<vmem>> -> memref<1x112x128xf32, #tpu.memory_space<vmem>>
    %dma_wait3A_97 = tpu.memref_squeeze %dma_wait3A_96 : memref<1x112x128xf32, #tpu.memory_space<vmem>> -> memref<112x128xf32, #tpu.memory_space<vmem>>
    %dma_wait3A_98 = arith.constant 0 : i32
    %dma_wait3A_99 = tpu.memref_slice %arg5[%dma_wait3A_92, %dma_wait3A_93, %dma_wait3A_98] : memref<5x2x112xi32, #tpu.memory_space<vmem>> -> memref<1x1x112xi32, #tpu.memory_space<vmem>>
    %dma_wait3A_100 = tpu.memref_squeeze %dma_wait3A_99 : memref<1x1x112xi32, #tpu.memory_space<vmem>> -> memref<112xi32, #tpu.memory_space<vmem>>
    %dma_wait3A_101 = arith.constant 0 : i32
    %dma_wait3A_102 = arith.constant 0 : i32
    %dma_wait3A_103 = tpu.memref_slice %arg7[%dma_wait3A_101, %dma_wait3A_102] : memref<10240x128xf32, #tpu.memory_space<vmem_shared>> -> memref<10240x128xf32, #tpu.memory_space<vmem_shared>>
    tpu.wait_indirect_dma semaphore(%arg10 : memref<!tpu.dma_semaphore, #tpu.memory_space<semaphore_mem>>) src(%dma_wait3A_97 : memref<112x128xf32, #tpu.memory_space<vmem>>) dst(%dma_wait3A_103 : memref<10240x128xf32, #tpu.memory_space<vmem_shared>>)
    %barrier3A_104 = arith.constant 0 : index
    tpu.barrier barrier_id(%barrier3A_104)
    "tpu.region"() ({
      %run_scoped3A = tpu.sem_alloc : memref<!tpu.dma_semaphore, #tpu.memory_space<semaphore_mem>>
      %dma_start3A_105 = arith.constant 0 : i32
      %dma_start3A_106 = tpu.memref_slice %arg4[%arg0, %mul3A_4, %dma_start3A_105] : memref<2x10240x128xf32, #tpu.memory_space<hbm>> -> memref<1x640x128xf32, #tpu.memory_space<hbm>>
      %dma_start3A_107 = tpu.memref_squeeze %dma_start3A_106 : memref<1x640x128xf32, #tpu.memory_space<hbm>> -> memref<640x128xf32, #tpu.memory_space<hbm>>
      %dma_start3A_108 = arith.constant 0 : i32
      %dma_start3A_109 = tpu.memref_slice %arg7[%mul3A_4, %dma_start3A_108] : memref<10240x128xf32, #tpu.memory_space<vmem_shared>> -> memref<640x128xf32, #tpu.memory_space<vmem_shared>>
      tpu.enqueue_dma source(%dma_start3A_109 : memref<640x128xf32, #tpu.memory_space<vmem_shared>>) target(%dma_start3A_107 : memref<640x128xf32, #tpu.memory_space<hbm>>) target_semaphore(%run_scoped3A : memref<!tpu.dma_semaphore, #tpu.memory_space<semaphore_mem>>)
      %dma_wait3A_110 = arith.constant 0 : i32
      %dma_wait3A_111 = tpu.memref_slice %arg4[%arg0, %mul3A_4, %dma_wait3A_110] : memref<2x10240x128xf32, #tpu.memory_space<hbm>> -> memref<1x640x128xf32, #tpu.memory_space<hbm>>
      %dma_wait3A_112 = tpu.memref_squeeze %dma_wait3A_111 : memref<1x640x128xf32, #tpu.memory_space<hbm>> -> memref<640x128xf32, #tpu.memory_space<hbm>>
      %dma_wait3A_113 = arith.constant 0 : i32
      %dma_wait3A_114 = tpu.memref_slice %arg7[%mul3A_4, %dma_wait3A_113] : memref<10240x128xf32, #tpu.memory_space<vmem_shared>> -> memref<640x128xf32, #tpu.memory_space<vmem_shared>>
      tpu.wait_dma2 semaphore(%run_scoped3A : memref<!tpu.dma_semaphore, #tpu.memory_space<semaphore_mem>>) src(%dma_wait3A_114 : memref<640x128xf32, #tpu.memory_space<vmem_shared>>) dst(%dma_wait3A_112 : memref<640x128xf32, #tpu.memory_space<hbm>>)
      tpu.yield
    }) : () -> ()
    return
  }
}

module attributes {stable_mosaic.version = 14 : i64} {
  func.func @_tc1_body(%arg0: i32, %arg1: memref<2x1024x1xf32, #tpu.memory_space<vmem>>, %arg2: memref<1024x128xf32, #tpu.memory_space<vmem>>, %arg3: memref<128x128xf32, #tpu.memory_space<vmem>>, %arg4: memref<1024x128xf32, #tpu.memory_space<vmem>>, %arg5: memref<1024x1xf32, #tpu.memory_space<vmem>>) attributes {dimension_semantics = [#tpu.dimension_semantics<arbitrary>], iteration_bounds = array<i64: 10>, scalar_prefetch = 0 : i64, scratch_operands = 0 : i64, tpu.core_type = #tpu.core_type<tc>, window_params = [{transform_indices = @transform_0, window_bounds = array<i64: 2, 1024, 1>}, {transform_indices = @transform_1, window_bounds = array<i64: 1024, 128>}, {pipeline_mode = #tpu.pipeline_mode<synchronous>, transform_indices = @transform_2, window_bounds = array<i64: 128, 128>}, {transform_indices = @transform_3, window_bounds = array<i64: 1024, 128>}, {transform_indices = @transform_4, window_bounds = array<i64: 1024, 1>}]} {
    %get3A = arith.constant 0 : index
    %get3A_0 = arith.constant 0 : index
    %get3A_1 = arith.constant 0 : index
    %get3A_2 = vector.load %arg1[%get3A, %get3A_0, %get3A_1] : memref<2x1024x1xf32, #tpu.memory_space<vmem>>, vector<1x1024x1xf32>
    %get3A_3 = vector.shape_cast %get3A_2 : vector<1x1024x1xf32> to vector<1024x1xf32>
    %get3A_4 = arith.constant 1 : index
    %get3A_5 = arith.constant 0 : index
    %get3A_6 = arith.constant 0 : index
    %get3A_7 = vector.load %arg1[%get3A_4, %get3A_5, %get3A_6] : memref<2x1024x1xf32, #tpu.memory_space<vmem>>, vector<1x1024x1xf32>
    %get3A_8 = vector.shape_cast %get3A_7 : vector<1x1024x1xf32> to vector<1024x1xf32>
    %add3A = arith.addf %get3A_3, %get3A_8 : vector<1024x1xf32>
    %gt3A = arith.constant 0.000000e+00 : f32
    %gt3A_9 = vector.broadcast %gt3A : f32 to vector<1024x1xf32>
    %gt3A_10 = arith.cmpf ogt, %add3A, %gt3A_9 : vector<1024x1xf32>
    %rsqrt3A = math.rsqrt %add3A : vector<1024x1xf32>
    %jit3A = arith.constant 0.000000e+00 : f32
    %broadcast_in_dim3A = vector.broadcast %jit3A : f32 to vector<1024x1xf32>
    %select_n3A = arith.select %gt3A_10, %rsqrt3A, %broadcast_in_dim3A : vector<1024x1xi1>, vector<1024x1xf32>
    %swap3A = arith.constant 0 : index
    %swap3A_11 = arith.constant 0 : index
    %swap3A_12 = vector.load %arg5[%swap3A, %swap3A_11] : memref<1024x1xf32, #tpu.memory_space<vmem>>, vector<1024x1xf32>
    tpu.vector_store %arg5[%swap3A, %swap3A_11], %select_n3A {strides = array<i32>} : memref<1024x1xf32, #tpu.memory_space<vmem>>, vector<1024x1xf32>,
    %get3A_13 = arith.constant 0 : index
    %get3A_14 = arith.constant 0 : index
    %get3A_15 = vector.load %arg2[%get3A_13, %get3A_14] : memref<1024x128xf32, #tpu.memory_space<vmem>>, vector<1024x128xf32>
    %get3A_16 = arith.constant 0 : index
    %get3A_17 = arith.constant 0 : index
    %get3A_18 = vector.load %arg3[%get3A_16, %get3A_17] : memref<128x128xf32, #tpu.memory_space<vmem>>, vector<128x128xf32>
    %dot_general3A = arith.constant dense<0.000000e+00> : vector<1024x128xf32>
    %dot_general3A_19 = tpu.matmul %get3A_15, %get3A_18, %dot_general3A {dimension_numbers = #tpu.dot_dimension_numbers<[1], [0], [0], [1], [0, 0, 1, 1], [], []>, transpose_lhs_hint = false} : vector<1024x128xf32>, vector<128x128xf32>, vector<1024x128xf32> -> vector<1024x128xf32>
    %mul3A = vector.broadcast %select_n3A : vector<1024x1xf32> to vector<1024x128xf32>
    %mul3A_20 = arith.mulf %mul3A, %dot_general3A_19 : vector<1024x128xf32>
    %swap3A_21 = arith.constant 0 : index
    %swap3A_22 = arith.constant 0 : index
    %swap3A_23 = vector.load %arg4[%swap3A_21, %swap3A_22] : memref<1024x128xf32, #tpu.memory_space<vmem>>, vector<1024x128xf32>
    tpu.vector_store %arg4[%swap3A_21, %swap3A_22], %mul3A_20 {strides = array<i32>} : memref<1024x128xf32, #tpu.memory_space<vmem>>, vector<1024x128xf32>,
    return
  }
  func.func @transform_0(%arg0: i32) -> (i32, i32, i32) {
    %c0_i32 = arith.constant 0 : i32
    %c0_i32_0 = arith.constant 0 : i32
    %c0_i32_1 = arith.constant 0 : i32
    return %c0_i32, %arg0, %c0_i32_0 : i32, i32, i32
  }
  func.func @transform_1(%arg0: i32) -> (i32, i32) {
    %c0_i32 = arith.constant 0 : i32
    %c0_i32_0 = arith.constant 0 : i32
    return %arg0, %c0_i32 : i32, i32
  }
  func.func @transform_2(%arg0: i32) -> (i32, i32) {
    %c0_i32 = arith.constant 0 : i32
    %c0_i32_0 = arith.constant 0 : i32
    %c0_i32_1 = arith.constant 0 : i32
    return %c0_i32, %c0_i32_0 : i32, i32
  }
  func.func @transform_3(%arg0: i32) -> (i32, i32) {
    %c0_i32 = arith.constant 0 : i32
    %c0_i32_0 = arith.constant 0 : i32
    return %arg0, %c0_i32 : i32, i32
  }
  func.func @transform_4(%arg0: i32) -> (i32, i32) {
    %c0_i32 = arith.constant 0 : i32
    %c0_i32_0 = arith.constant 0 : i32
    return %arg0, %c0_i32 : i32, i32
  }
}

module attributes {stable_mosaic.version = 14 : i64} {
  func.func @_tc2_body(%arg0: i32, %arg1: memref<2x1024x128xf32, #tpu.memory_space<vmem>>, %arg2: memref<1024x128xf32, #tpu.memory_space<vmem>>, %arg3: memref<1024x1xf32, #tpu.memory_space<vmem>>, %arg4: memref<1x128xf32, #tpu.memory_space<vmem>>, %arg5: memref<128x128xf32, #tpu.memory_space<vmem>>, %arg6: memref<1024x128xf32, #tpu.memory_space<vmem>>) attributes {dimension_semantics = [#tpu.dimension_semantics<arbitrary>], iteration_bounds = array<i64: 10>, scalar_prefetch = 0 : i64, scratch_operands = 0 : i64, tpu.core_type = #tpu.core_type<tc>, window_params = [{transform_indices = @transform_0, window_bounds = array<i64: 2, 1024, 128>}, {transform_indices = @transform_1, window_bounds = array<i64: 1024, 128>}, {transform_indices = @transform_2, window_bounds = array<i64: 1024, 1>}, {pipeline_mode = #tpu.pipeline_mode<synchronous>, transform_indices = @transform_3, window_bounds = array<i64: 1, 128>}, {pipeline_mode = #tpu.pipeline_mode<synchronous>, transform_indices = @transform_4, window_bounds = array<i64: 128, 128>}, {transform_indices = @transform_5, window_bounds = array<i64: 1024, 128>}]} {
    %get3A = arith.constant 0 : index
    %get3A_0 = arith.constant 0 : index
    %get3A_1 = vector.load %arg3[%get3A, %get3A_0] : memref<1024x1xf32, #tpu.memory_space<vmem>>, vector<1024x1xf32>
    %get3A_2 = arith.constant 0 : index
    %get3A_3 = arith.constant 0 : index
    %get3A_4 = arith.constant 0 : index
    %get3A_5 = vector.load %arg1[%get3A_2, %get3A_3, %get3A_4] : memref<2x1024x128xf32, #tpu.memory_space<vmem>>, vector<1x1024x128xf32>
    %get3A_6 = vector.shape_cast %get3A_5 : vector<1x1024x128xf32> to vector<1024x128xf32>
    %get3A_7 = arith.constant 1 : index
    %get3A_8 = arith.constant 0 : index
    %get3A_9 = arith.constant 0 : index
    %get3A_10 = vector.load %arg1[%get3A_7, %get3A_8, %get3A_9] : memref<2x1024x128xf32, #tpu.memory_space<vmem>>, vector<1x1024x128xf32>
    %get3A_11 = vector.shape_cast %get3A_10 : vector<1x1024x128xf32> to vector<1024x128xf32>
    %add3A = arith.addf %get3A_6, %get3A_11 : vector<1024x128xf32>
    %get3A_12 = arith.constant 0 : index
    %get3A_13 = arith.constant 0 : index
    %get3A_14 = vector.load %arg2[%get3A_12, %get3A_13] : memref<1024x128xf32, #tpu.memory_space<vmem>>, vector<1024x128xf32>
    %sub3A = arith.subf %add3A, %get3A_14 : vector<1024x128xf32>
    %mul3A = vector.broadcast %get3A_1 : vector<1024x1xf32> to vector<1024x128xf32>
    %mul3A_15 = arith.mulf %mul3A, %sub3A : vector<1024x128xf32>
    %get3A_16 = arith.constant 0 : index
    %get3A_17 = arith.constant 0 : index
    %get3A_18 = vector.load %arg4[%get3A_16, %get3A_17] : memref<1x128xf32, #tpu.memory_space<vmem>>, vector<1x128xf32>
    %add3A_19 = vector.broadcast %get3A_18 : vector<1x128xf32> to vector<1024x128xf32>
    %add3A_20 = arith.addf %mul3A_15, %add3A_19 : vector<1024x128xf32>
    %gt3A = arith.constant 0.000000e+00 : f32
    %gt3A_21 = vector.broadcast %gt3A : f32 to vector<1024x128xf32>
    %gt3A_22 = arith.cmpf ogt, %add3A_20, %gt3A_21 : vector<1024x128xf32>
    %mul3A_23 = arith.constant 0.00999999977 : f32
    %mul3A_24 = vector.broadcast %mul3A_23 : f32 to vector<1024x128xf32>
    %mul3A_25 = arith.mulf %mul3A_24, %add3A_20 : vector<1024x128xf32>
    %select_n3A = arith.select %gt3A_22, %add3A_20, %mul3A_25 : vector<1024x128xi1>, vector<1024x128xf32>
    %get3A_26 = arith.constant 0 : index
    %get3A_27 = arith.constant 0 : index
    %get3A_28 = vector.load %arg5[%get3A_26, %get3A_27] : memref<128x128xf32, #tpu.memory_space<vmem>>, vector<128x128xf32>
    %dot_general3A = arith.constant dense<0.000000e+00> : vector<1024x128xf32>
    %dot_general3A_29 = tpu.matmul %select_n3A, %get3A_28, %dot_general3A {dimension_numbers = #tpu.dot_dimension_numbers<[1], [0], [0], [1], [0, 0, 1, 1], [], []>, transpose_lhs_hint = false} : vector<1024x128xf32>, vector<128x128xf32>, vector<1024x128xf32> -> vector<1024x128xf32>
    %mul3A_30 = vector.broadcast %get3A_1 : vector<1024x1xf32> to vector<1024x128xf32>
    %mul3A_31 = arith.mulf %mul3A_30, %dot_general3A_29 : vector<1024x128xf32>
    %swap3A = arith.constant 0 : index
    %swap3A_32 = arith.constant 0 : index
    %swap3A_33 = vector.load %arg6[%swap3A, %swap3A_32] : memref<1024x128xf32, #tpu.memory_space<vmem>>, vector<1024x128xf32>
    tpu.vector_store %arg6[%swap3A, %swap3A_32], %mul3A_31 {strides = array<i32>} : memref<1024x128xf32, #tpu.memory_space<vmem>>, vector<1024x128xf32>,
    return
  }
  func.func @transform_0(%arg0: i32) -> (i32, i32, i32) {
    %c0_i32 = arith.constant 0 : i32
    %c0_i32_0 = arith.constant 0 : i32
    %c0_i32_1 = arith.constant 0 : i32
    return %c0_i32, %arg0, %c0_i32_0 : i32, i32, i32
  }
  func.func @transform_1(%arg0: i32) -> (i32, i32) {
    %c0_i32 = arith.constant 0 : i32
    %c0_i32_0 = arith.constant 0 : i32
    return %arg0, %c0_i32 : i32, i32
  }
  func.func @transform_2(%arg0: i32) -> (i32, i32) {
    %c0_i32 = arith.constant 0 : i32
    %c0_i32_0 = arith.constant 0 : i32
    return %arg0, %c0_i32 : i32, i32
  }
  func.func @transform_3(%arg0: i32) -> (i32, i32) {
    %c0_i32 = arith.constant 0 : i32
    %c0_i32_0 = arith.constant 0 : i32
    %c0_i32_1 = arith.constant 0 : i32
    return %c0_i32, %c0_i32_0 : i32, i32
  }
  func.func @transform_4(%arg0: i32) -> (i32, i32) {
    %c0_i32 = arith.constant 0 : i32
    %c0_i32_0 = arith.constant 0 : i32
    %c0_i32_1 = arith.constant 0 : i32
    return %c0_i32, %c0_i32_0 : i32, i32
  }
  func.func @transform_5(%arg0: i32) -> (i32, i32) {
    %c0_i32 = arith.constant 0 : i32
    %c0_i32_0 = arith.constant 0 : i32
    return %arg0, %c0_i32 : i32, i32
  }
}

module attributes {stable_mosaic.version = 14 : i64} {
  func.func @_tc3_body(%arg0: i32, %arg1: memref<2x1024x128xf32, #tpu.memory_space<vmem>>, %arg2: memref<1024x128xf32, #tpu.memory_space<vmem>>, %arg3: memref<1024x1xf32, #tpu.memory_space<vmem>>, %arg4: memref<1x128xf32, #tpu.memory_space<vmem>>, %arg5: memref<1024x1xi32, #tpu.memory_space<vmem>>, %arg6: memref<128x128xf32, #tpu.memory_space<vmem>>, %arg7: memref<1x128xf32, #tpu.memory_space<vmem>>, %arg8: memref<128x128xf32, #tpu.memory_space<vmem>>, %arg9: memref<1x128xf32, #tpu.memory_space<vmem>>, %arg10: memref<128x128xf32, #tpu.memory_space<vmem>>, %arg11: memref<1x128xf32, #tpu.memory_space<vmem>>, %arg12: memref<64x128xf32, #tpu.memory_space<vmem>>, %arg13: memref<64x128xf32, #tpu.memory_space<vmem>>, %arg14: memref<64x128xf32, #tpu.memory_space<vmem>>) attributes {dimension_semantics = [#tpu.dimension_semantics<arbitrary>], iteration_bounds = array<i64: 10>, scalar_prefetch = 0 : i64, scratch_operands = 2 : i64, tpu.core_type = #tpu.core_type<tc>, window_params = [{transform_indices = @transform_0, window_bounds = array<i64: 2, 1024, 128>}, {transform_indices = @transform_1, window_bounds = array<i64: 1024, 128>}, {transform_indices = @transform_2, window_bounds = array<i64: 1024, 1>}, {pipeline_mode = #tpu.pipeline_mode<synchronous>, transform_indices = @transform_3, window_bounds = array<i64: 1, 128>}, {transform_indices = @transform_4, window_bounds = array<i64: 1024, 1>}, {pipeline_mode = #tpu.pipeline_mode<synchronous>, transform_indices = @transform_5, window_bounds = array<i64: 128, 128>}, {pipeline_mode = #tpu.pipeline_mode<synchronous>, transform_indices = @transform_6, window_bounds = array<i64: 1, 128>}, {pipeline_mode = #tpu.pipeline_mode<synchronous>, transform_indices = @transform_7, window_bounds = array<i64: 128, 128>}, {pipeline_mode = #tpu.pipeline_mode<synchronous>, transform_indices = @transform_8, window_bounds = array<i64: 1, 128>}, {pipeline_mode = #tpu.pipeline_mode<synchronous>, transform_indices = @transform_9, window_bounds = array<i64: 128, 128>}, {pipeline_mode = #tpu.pipeline_mode<synchronous>, transform_indices = @transform_10, window_bounds = array<i64: 1, 128>}, {pipeline_mode = #tpu.pipeline_mode<synchronous>, transform_indices = @transform_11, window_bounds = array<i64: 64, 128>}]} {
    %get3A = arith.constant 0 : index
    %get3A_0 = arith.constant 0 : index
    %get3A_1 = vector.load %arg3[%get3A, %get3A_0] : memref<1024x1xf32, #tpu.memory_space<vmem>>, vector<1024x1xf32>
    %get3A_2 = arith.constant 0 : index
    %get3A_3 = arith.constant 0 : index
    %get3A_4 = arith.constant 0 : index
    %get3A_5 = vector.load %arg1[%get3A_2, %get3A_3, %get3A_4] : memref<2x1024x128xf32, #tpu.memory_space<vmem>>, vector<1x1024x128xf32>
    %get3A_6 = vector.shape_cast %get3A_5 : vector<1x1024x128xf32> to vector<1024x128xf32>
    %get3A_7 = arith.constant 1 : index
    %get3A_8 = arith.constant 0 : index
    %get3A_9 = arith.constant 0 : index
    %get3A_10 = vector.load %arg1[%get3A_7, %get3A_8, %get3A_9] : memref<2x1024x128xf32, #tpu.memory_space<vmem>>, vector<1x1024x128xf32>
    %get3A_11 = vector.shape_cast %get3A_10 : vector<1x1024x128xf32> to vector<1024x128xf32>
    %add3A = arith.addf %get3A_6, %get3A_11 : vector<1024x128xf32>
    %get3A_12 = arith.constant 0 : index
    %get3A_13 = arith.constant 0 : index
    %get3A_14 = vector.load %arg2[%get3A_12, %get3A_13] : memref<1024x128xf32, #tpu.memory_space<vmem>>, vector<1024x128xf32>
    %sub3A = arith.subf %add3A, %get3A_14 : vector<1024x128xf32>
    %mul3A = vector.broadcast %get3A_1 : vector<1024x1xf32> to vector<1024x128xf32>
    %mul3A_15 = arith.mulf %mul3A, %sub3A : vector<1024x128xf32>
    %get3A_16 = arith.constant 0 : index
    %get3A_17 = arith.constant 0 : index
    %get3A_18 = vector.load %arg4[%get3A_16, %get3A_17] : memref<1x128xf32, #tpu.memory_space<vmem>>, vector<1x128xf32>
    %add3A_19 = vector.broadcast %get3A_18 : vector<1x128xf32> to vector<1024x128xf32>
    %add3A_20 = arith.addf %mul3A_15, %add3A_19 : vector<1024x128xf32>
    %gt3A = arith.constant 0.000000e+00 : f32
    %gt3A_21 = vector.broadcast %gt3A : f32 to vector<1024x128xf32>
    %gt3A_22 = arith.cmpf ogt, %add3A_20, %gt3A_21 : vector<1024x128xf32>
    %mul3A_23 = arith.constant 0.00999999977 : f32
    %mul3A_24 = vector.broadcast %mul3A_23 : f32 to vector<1024x128xf32>
    %mul3A_25 = arith.mulf %mul3A_24, %add3A_20 : vector<1024x128xf32>
    %select_n3A = arith.select %gt3A_22, %add3A_20, %mul3A_25 : vector<1024x128xi1>, vector<1024x128xf32>
    %iota3A = tpu.iota {dimensions = array<i32: 1>} : vector<1024x64xi32>
    %get3A_26 = arith.constant 0 : index
    %get3A_27 = arith.constant 0 : index
    %get3A_28 = vector.load %arg5[%get3A_26, %get3A_27] : memref<1024x1xi32, #tpu.memory_space<vmem>>, vector<1024x1xi32>
    %eq3A = vector.broadcast %get3A_28 : vector<1024x1xi32> to vector<1024x64xi32>
    %eq3A_29 = arith.cmpi eq, %eq3A, %iota3A : vector<1024x64xi32>
    %convert_element_type3A = arith.extui %eq3A_29 : vector<1024x64xi1> to vector<1024x64xi32>
    %convert_element_type3A_30 = arith.sitofp %convert_element_type3A : vector<1024x64xi32> to vector<1024x64xf32>
    %dot_general3A = arith.constant dense<0.000000e+00> : vector<64x128xf32>
    %dot_general3A_31 = tpu.matmul %convert_element_type3A_30, %select_n3A, %dot_general3A {dimension_numbers = #tpu.dot_dimension_numbers<[0], [0], [1], [1], [0, 1, 1, 1], [], []>, transpose_lhs_hint = false} : vector<1024x64xf32>, vector<1024x128xf32>, vector<64x128xf32> -> vector<64x128xf32>
    %broadcast_in_dim3A = arith.constant 1.000000e+00 : f32
    %broadcast_in_dim3A_32 = vector.broadcast %broadcast_in_dim3A : f32 to vector<1024x128xf32>
    %dot_general3A_33 = arith.constant dense<0.000000e+00> : vector<64x128xf32>
    %dot_general3A_34 = tpu.matmul %convert_element_type3A_30, %broadcast_in_dim3A_32, %dot_general3A_33 {dimension_numbers = #tpu.dot_dimension_numbers<[0], [0], [1], [1], [0, 1, 1, 1], [], []>, transpose_lhs_hint = false} : vector<1024x64xf32>, vector<1024x128xf32>, vector<64x128xf32> -> vector<64x128xf32>
    %eq3A_35 = arith.constant 0 : i32
    %eq3A_36 = arith.cmpi eq, %arg0, %eq3A_35 : i32
    %convert_element_type3A_37 = arith.extui %eq3A_36 : i1 to i32
    %cond3A = arith.constant 0 : i32
    %cond3A_38 = arith.cmpi ne, %convert_element_type3A_37, %cond3A : i32
    scf.if %cond3A_38 {
      %swap3A = arith.constant 0 : index
      %swap3A_49 = arith.constant 0 : index
      %swap3A_50 = vector.load %arg13[%swap3A, %swap3A_49] : memref<64x128xf32, #tpu.memory_space<vmem>>, vector<64x128xf32>
      tpu.vector_store %arg13[%swap3A, %swap3A_49], %dot_general3A_31 {strides = array<i32>} : memref<64x128xf32, #tpu.memory_space<vmem>>, vector<64x128xf32>,
      %swap3A_51 = arith.constant 0 : index
      %swap3A_52 = arith.constant 0 : index
      %swap3A_53 = vector.load %arg14[%swap3A_51, %swap3A_52] : memref<64x128xf32, #tpu.memory_space<vmem>>, vector<64x128xf32>
      tpu.vector_store %arg14[%swap3A_51, %swap3A_52], %dot_general3A_34 {strides = array<i32>} : memref<64x128xf32, #tpu.memory_space<vmem>>, vector<64x128xf32>,
    } else {
    }
    %gt3A_39 = arith.constant 0 : i32
    %gt3A_40 = arith.cmpi sgt, %arg0, %gt3A_39 : i32
    %convert_element_type3A_41 = arith.extui %gt3A_40 : i1 to i32
    %cond3A_42 = arith.constant 0 : i32
    %cond3A_43 = arith.cmpi ne, %convert_element_type3A_41, %cond3A_42 : i32
    scf.if %cond3A_43 {
      %get3A_49 = arith.constant 0 : index
      %get3A_50 = arith.constant 0 : index
      %get3A_51 = vector.load %arg13[%get3A_49, %get3A_50] : memref<64x128xf32, #tpu.memory_space<vmem>>, vector<64x128xf32>
      %add3A_52 = arith.addf %get3A_51, %dot_general3A_31 : vector<64x128xf32>
      %swap3A = arith.constant 0 : index
      %swap3A_53 = arith.constant 0 : index
      %swap3A_54 = vector.load %arg13[%swap3A, %swap3A_53] : memref<64x128xf32, #tpu.memory_space<vmem>>, vector<64x128xf32>
      tpu.vector_store %arg13[%swap3A, %swap3A_53], %add3A_52 {strides = array<i32>} : memref<64x128xf32, #tpu.memory_space<vmem>>, vector<64x128xf32>,
      %get3A_55 = arith.constant 0 : index
      %get3A_56 = arith.constant 0 : index
      %get3A_57 = vector.load %arg14[%get3A_55, %get3A_56] : memref<64x128xf32, #tpu.memory_space<vmem>>, vector<64x128xf32>
      %add3A_58 = arith.addf %get3A_57, %dot_general3A_34 : vector<64x128xf32>
      %swap3A_59 = arith.constant 0 : index
      %swap3A_60 = arith.constant 0 : index
      %swap3A_61 = vector.load %arg14[%swap3A_59, %swap3A_60] : memref<64x128xf32, #tpu.memory_space<vmem>>, vector<64x128xf32>
      tpu.vector_store %arg14[%swap3A_59, %swap3A_60], %add3A_58 {strides = array<i32>} : memref<64x128xf32, #tpu.memory_space<vmem>>, vector<64x128xf32>,
    } else {
    }
    %eq3A_44 = arith.constant 9 : i32
    %eq3A_45 = arith.cmpi eq, %arg0, %eq3A_44 : i32
    %convert_element_type3A_46 = arith.extui %eq3A_45 : i1 to i32
    %cond3A_47 = arith.constant 0 : i32
    %cond3A_48 = arith.cmpi ne, %convert_element_type3A_46, %cond3A_47 : i32
    scf.if %cond3A_48 {
      %get3A_49 = arith.constant 0 : index
      %get3A_50 = arith.constant 0 : index
      %get3A_51 = vector.load %arg13[%get3A_49, %get3A_50] : memref<64x128xf32, #tpu.memory_space<vmem>>, vector<64x128xf32>
      %get3A_52 = arith.constant 0 : index
      %get3A_53 = arith.constant 0 : index
      %get3A_54 = vector.load %arg14[%get3A_52, %get3A_53] : memref<64x128xf32, #tpu.memory_space<vmem>>, vector<64x128xf32>
      %max3A = arith.constant 1.000000e+00 : f32
      %max3A_55 = vector.broadcast %max3A : f32 to vector<64x128xf32>
      %max3A_56 = arith.maximumf %get3A_54, %max3A_55 : vector<64x128xf32>
      %div3A = arith.divf %get3A_51, %max3A_56 : vector<64x128xf32>
      %get3A_57 = arith.constant 0 : index
      %get3A_58 = arith.constant 0 : index
      %get3A_59 = vector.load %arg6[%get3A_57, %get3A_58] : memref<128x128xf32, #tpu.memory_space<vmem>>, vector<128x128xf32>
      %dot_general3A_60 = arith.constant dense<0.000000e+00> : vector<64x128xf32>
      %dot_general3A_61 = tpu.matmul %div3A, %get3A_59, %dot_general3A_60 {dimension_numbers = #tpu.dot_dimension_numbers<[1], [0], [0], [1], [0, 0, 1, 1], [], []>, transpose_lhs_hint = false} : vector<64x128xf32>, vector<128x128xf32>, vector<64x128xf32> -> vector<64x128xf32>
      %get3A_62 = arith.constant 0 : index
      %get3A_63 = arith.constant 0 : index
      %get3A_64 = vector.load %arg7[%get3A_62, %get3A_63] : memref<1x128xf32, #tpu.memory_space<vmem>>, vector<1x128xf32>
      %add3A_65 = vector.broadcast %get3A_64 : vector<1x128xf32> to vector<64x128xf32>
      %add3A_66 = arith.addf %dot_general3A_61, %add3A_65 : vector<64x128xf32>
      %gt3A_67 = arith.constant 0.000000e+00 : f32
      %gt3A_68 = vector.broadcast %gt3A_67 : f32 to vector<64x128xf32>
      %gt3A_69 = arith.cmpf ogt, %add3A_66, %gt3A_68 : vector<64x128xf32>
      %mul3A_70 = arith.constant 0.00999999977 : f32
      %mul3A_71 = vector.broadcast %mul3A_70 : f32 to vector<64x128xf32>
      %mul3A_72 = arith.mulf %mul3A_71, %add3A_66 : vector<64x128xf32>
      %select_n3A_73 = arith.select %gt3A_69, %add3A_66, %mul3A_72 : vector<64x128xi1>, vector<64x128xf32>
      %get3A_74 = arith.constant 0 : index
      %get3A_75 = arith.constant 0 : index
      %get3A_76 = vector.load %arg8[%get3A_74, %get3A_75] : memref<128x128xf32, #tpu.memory_space<vmem>>, vector<128x128xf32>
      %dot_general3A_77 = arith.constant dense<0.000000e+00> : vector<64x128xf32>
      %dot_general3A_78 = tpu.matmul %select_n3A_73, %get3A_76, %dot_general3A_77 {dimension_numbers = #tpu.dot_dimension_numbers<[1], [0], [0], [1], [0, 0, 1, 1], [], []>, transpose_lhs_hint = false} : vector<64x128xf32>, vector<128x128xf32>, vector<64x128xf32> -> vector<64x128xf32>
      %get3A_79 = arith.constant 0 : index
      %get3A_80 = arith.constant 0 : index
      %get3A_81 = vector.load %arg9[%get3A_79, %get3A_80] : memref<1x128xf32, #tpu.memory_space<vmem>>, vector<1x128xf32>
      %add3A_82 = vector.broadcast %get3A_81 : vector<1x128xf32> to vector<64x128xf32>
      %add3A_83 = arith.addf %dot_general3A_78, %add3A_82 : vector<64x128xf32>
      %gt3A_84 = arith.constant 0.000000e+00 : f32
      %gt3A_85 = vector.broadcast %gt3A_84 : f32 to vector<64x128xf32>
      %gt3A_86 = arith.cmpf ogt, %add3A_83, %gt3A_85 : vector<64x128xf32>
      %mul3A_87 = arith.constant 0.00999999977 : f32
      %mul3A_88 = vector.broadcast %mul3A_87 : f32 to vector<64x128xf32>
      %mul3A_89 = arith.mulf %mul3A_88, %add3A_83 : vector<64x128xf32>
      %select_n3A_90 = arith.select %gt3A_86, %add3A_83, %mul3A_89 : vector<64x128xi1>, vector<64x128xf32>
      %get3A_91 = arith.constant 0 : index
      %get3A_92 = arith.constant 0 : index
      %get3A_93 = vector.load %arg10[%get3A_91, %get3A_92] : memref<128x128xf32, #tpu.memory_space<vmem>>, vector<128x128xf32>
      %dot_general3A_94 = arith.constant dense<0.000000e+00> : vector<64x128xf32>
      %dot_general3A_95 = tpu.matmul %select_n3A_90, %get3A_93, %dot_general3A_94 {dimension_numbers = #tpu.dot_dimension_numbers<[1], [0], [0], [1], [0, 0, 1, 1], [], []>, transpose_lhs_hint = false} : vector<64x128xf32>, vector<128x128xf32>, vector<64x128xf32> -> vector<64x128xf32>
      %get3A_96 = arith.constant 0 : index
      %get3A_97 = arith.constant 0 : index
      %get3A_98 = vector.load %arg11[%get3A_96, %get3A_97] : memref<1x128xf32, #tpu.memory_space<vmem>>, vector<1x128xf32>
      %add3A_99 = vector.broadcast %get3A_98 : vector<1x128xf32> to vector<64x128xf32>
      %add3A_100 = arith.addf %dot_general3A_95, %add3A_99 : vector<64x128xf32>
      %swap3A = arith.constant 0 : index
      %swap3A_101 = arith.constant 0 : index
      %swap3A_102 = vector.load %arg12[%swap3A, %swap3A_101] : memref<64x128xf32, #tpu.memory_space<vmem>>, vector<64x128xf32>
      tpu.vector_store %arg12[%swap3A, %swap3A_101], %add3A_100 {strides = array<i32>} : memref<64x128xf32, #tpu.memory_space<vmem>>, vector<64x128xf32>,
    } else {
    }
    return
  }
  func.func @transform_0(%arg0: i32) -> (i32, i32, i32) {
    %c0_i32 = arith.constant 0 : i32
    %c0_i32_0 = arith.constant 0 : i32
    %c0_i32_1 = arith.constant 0 : i32
    return %c0_i32, %arg0, %c0_i32_0 : i32, i32, i32
  }
  func.func @transform_1(%arg0: i32) -> (i32, i32) {
    %c0_i32 = arith.constant 0 : i32
    %c0_i32_0 = arith.constant 0 : i32
    return %arg0, %c0_i32 : i32, i32
  }
  func.func @transform_2(%arg0: i32) -> (i32, i32) {
    %c0_i32 = arith.constant 0 : i32
    %c0_i32_0 = arith.constant 0 : i32
    return %arg0, %c0_i32 : i32, i32
  }
  func.func @transform_3(%arg0: i32) -> (i32, i32) {
    %c0_i32 = arith.constant 0 : i32
    %c0_i32_0 = arith.constant 0 : i32
    %c0_i32_1 = arith.constant 0 : i32
    return %c0_i32, %c0_i32_0 : i32, i32
  }
  func.func @transform_4(%arg0: i32) -> (i32, i32) {
    %c0_i32 = arith.constant 0 : i32
    %c0_i32_0 = arith.constant 0 : i32
    return %arg0, %c0_i32 : i32, i32
  }
  func.func @transform_5(%arg0: i32) -> (i32, i32) {
    %c0_i32 = arith.constant 0 : i32
    %c0_i32_0 = arith.constant 0 : i32
    %c0_i32_1 = arith.constant 0 : i32
    return %c0_i32, %c0_i32_0 : i32, i32
  }
  func.func @transform_6(%arg0: i32) -> (i32, i32) {
    %c0_i32 = arith.constant 0 : i32
    %c0_i32_0 = arith.constant 0 : i32
    %c0_i32_1 = arith.constant 0 : i32
    return %c0_i32, %c0_i32_0 : i32, i32
  }
  func.func @transform_7(%arg0: i32) -> (i32, i32) {
    %c0_i32 = arith.constant 0 : i32
    %c0_i32_0 = arith.constant 0 : i32
    %c0_i32_1 = arith.constant 0 : i32
    return %c0_i32, %c0_i32_0 : i32, i32
  }
  func.func @transform_8(%arg0: i32) -> (i32, i32) {
    %c0_i32 = arith.constant 0 : i32
    %c0_i32_0 = arith.constant 0 : i32
    %c0_i32_1 = arith.constant 0 : i32
    return %c0_i32, %c0_i32_0 : i32, i32
  }
  func.func @transform_9(%arg0: i32) -> (i32, i32) {
    %c0_i32 = arith.constant 0 : i32
    %c0_i32_0 = arith.constant 0 : i32
    %c0_i32_1 = arith.constant 0 : i32
    return %c0_i32, %c0_i32_0 : i32, i32
  }
  func.func @transform_10(%arg0: i32) -> (i32, i32) {
    %c0_i32 = arith.constant 0 : i32
    %c0_i32_0 = arith.constant 0 : i32
    %c0_i32_1 = arith.constant 0 : i32
    return %c0_i32, %c0_i32_0 : i32, i32
  }
  func.func @transform_11(%arg0: i32) -> (i32, i32) {
    %c0_i32 = arith.constant 0 : i32
    %c0_i32_0 = arith.constant 0 : i32
    %c0_i32_1 = arith.constant 0 : i32
    return %c0_i32, %c0_i32_0 : i32, i32
  }
}

</mosaic_0001>

<sc_bundles>
// kernel: kernel.11.cloned.1.call-start
scs
__scs_entry_jumppad:
0x0: {  	(pc) =	sbr.rel $0x88, $3  }
0x1: {  	(tag) =	ssettag $0x0;
	lr =	simm.s32 $0x1  }
0x2: {  	[smem:$0x3F94] =	sst lr;
	_ =	strace $0xD0000000  }
0x3: {  	_ = 	snop  }
0x4: {  	_ = 	snop  }
0x5: {  	_ = 	snop  }
0x6: {  	_ = 	snop  }
0x7: {  	_ = 	snop  }
__scs_overlays_trampoline_lowered:
0x8: {  	[smem:$0x3FA3] =	sst s0  }
0x9: {  	[smem:$0x3FA4] =	sst s1  }
0xa: {  	[smem:$0x3FA5] =	sst s2  }
0xb: {  	[smem:$0x3FA6] =	sst s3  }
0xc: {  	[smem:$0x3FA7] =	sst s4  }
0xd: {  	[smem:$0x3FA8] =	sst s5  }
0xe: {  	[smem:$0x3FA9] =	sst s6  }
0xf: {  	[smem:$0x3FAA] =	sst s7  }
0x10: {  	[smem:$0x3FAB] =	sst s8  }
0x11: {  	[smem:$0x3FAC] =	sst s9;
	s0 =	simm.s32 @!p0 $0x0  }
0x12: {  	s1 =	sld [smem:$0x3F92];
	s0 =	simm.s32 @p0 $0x1  }
0x13: {  	[smem:$0x3FAD] =	sst s0;
	s0 =	simm.s32 @!p1 $0x0  }
0x14: {  	s2 =	sld [smem:$0x3F91];
	s0 =	simm.s32 @p1 $0x1  }
0x15: {  	[smem:$0x3FAE] =	sst s0;
	s0 =	simm.s32 @!p2 $0x0  }
0x16: {  	s3 =	sld [smem:$0x3FDB];
	s0 =	simm.s32 @p2 $0x1  }
0x17: {  	s4 =	simm.s32 $0x1BF5;
	[smem:$0x3FB0] =	sst s0  }
0x18: {  	s0 =	sld [smem:$0x3F93];
	_ =	swait.ge [sflag:s4], $0x0  }
0x19: {  	s7 =	sld [smem:$0x3F94]  }
0x1a: {  	s8 =	sadd.s32 $0xFFFFE003, lr  }
0x1b: {  	s9 =	sadd.s32 $0xFFFFFEF7, lr;
	s5 =	simm.s32 $0xFFFFFFFF;
	p2 =	slt.u32 s8, $0xFFFFF086  }
0x1c: {  	p1 =	slt.u32 s9, $0xF7A;
	s5 =	simm.s32 @!p2 $0x0  }
0x1d: {  	s5 =	simm.s32 @p1 $0x1;
	p0 =	seq.s32 s7, s2  }
0x1e: {  	s7 =	smul.u32 @!p0 $0xF7A, s2;
	p2 =	seq.s32 @!p0 s5, $0x0  }
0x1f: {  	s9 =	smul.u32 $0xF7A, s1;
	s8 =	simm.s32 @!p0 $0x1BF5;
	p2 =	por !p2, p0  }
0x20: {  	[sflag:s8] =	ssyncset.s32 @!p0 $0xFFFFF086;
	s6 =	sadd.s32 @!p0 s3, s7;
	s7 =	simm.s32 @!p0 $0x108  }
0x21: {  	s3 =	sadd.s32 s3, s9;
	s6 =	sadd.s32 @!p0 $0x88, s6;
	s7 =	simm.s32 @p2 $0x1082  }
0x22: {  	[simem:s7], [sflag:s8] =	dma.local @!p0 [hbm:s6], $0xF7A  }
0x23: {  	s9 =	sor.u32 $0xD0000000, s2;
	s6 =	simm.s32 $0x108;
	_ =	swait.ge @!p0 [sflag:s8], $0x0  }
0x24: {  	s3 =	sadd.s32 $0x88, s3;
	s6 =	simm.s32 @!p1 $0x1082;
	[sflag:s4] =	ssyncset.s32 $0xFFFFF086  }
0x25: {  	[simem:s6], [sflag:s4] =	dma.local [hbm:s3], $0xF7A  }
0x26: {  	[smem:$0x3F94] =	sst s1;
	(tag) =	ssettag s2;
	_ =	strace s9  }
0x27: {  	s1 =	sld [smem:$0x3FA4]  }
0x28: {  	s2 =	sld [smem:$0x3FA5]  }
0x29: {  	s4 =	sld [smem:$0x3FA7]  }
0x2a: {  	p0 =	seq.s32 s5, $0x0;
	s5 =	sld [smem:$0x3FA8]  }
0x2b: {  	s6 =	sld [smem:$0x3FA9]  }
0x2c: {  	s7 =	sld [smem:$0x3FAA]  }
0x2d: {  	s3 =	simm.s32 $0x108;
	s8 =	sld [smem:$0x3FAB]  }
0x2e: {  	s3 =	simm.s32 @!p0 $0x1082;
	s9 =	sld [smem:$0x3FAC]  }
0x2f: {  	lr =	sadd.s32 s0, s3;
	s0 =	sld [smem:$0x3FA3]  }
0x30: {  	s3 =	sld [smem:$0x3FA6]  }
0x31: {  	[smem:$0x3FAF] =	sst s10  }
0x32: {  	s10 =	sld [smem:$0x3FAD];
	_ =	sdelay $0x3  }
0x33: {  	p0 =	seq.s32 s10, $0x1;
	s10 =	sld [smem:$0x3FAF];
	_ =	sdelay $0x3  }
0x34: {  	[smem:$0x3FAF] =	sst s10  }
0x35: {  	s10 =	sld [smem:$0x3FAE];
	_ =	sdelay $0x3  }
0x36: {  	p1 =	seq.s32 s10, $0x1;
	s10 =	sld [smem:$0x3FAF];
	_ =	sdelay $0x3  }
0x37: {  	[smem:$0x3FAF] =	sst s10  }
0x38: {  	s10 =	sld [smem:$0x3FB0]  }
0x39: {  	_ = 	snop;
	(pc) =	sbr.ind lr, $3  }
0x3a: {  	_ = 	snop  }
0x3b: {  	_ = 	snop  }
0x3c: {  	p2 =	seq.s32 s10, $0x1;
	s10 =	sld [smem:$0x3FAF]  }
0x3d: {  	_ =	shalt  }
0x3e: {  	_ =	shalt  }
0x3f: {  	_ =	shalt  }
0x40: {  	_ =	shalt  }
0x41: {  	_ =	shalt  }
0x42: {  	_ =	shalt  }
0x43: {  	_ =	shalt  }
0x44: {  	_ =	shalt  }
0x45: {  	_ =	shalt  }
0x46: {  	_ =	shalt  }
0x47: {  	_ =	shalt  }
0x48: {  	_ =	shalt  }
0x49: {  	_ =	shalt  }
0x4a: {  	_ =	shalt  }
0x4b: {  	_ =	shalt  }
0x4c: {  	_ =	shalt  }
0x4d: {  	_ =	shalt  }
0x4e: {  	_ =	shalt  }
0x4f: {  	_ =	shalt  }
0x50: {  	_ =	shalt  }
0x51: {  	_ =	shalt  }
0x52: {  	_ =	shalt  }
0x53: {  	_ =	shalt  }
0x54: {  	_ =	shalt  }
0x55: {  	_ =	shalt  }
0x56: {  	_ =	shalt  }
0x57: {  	_ =	shalt  }
0x58: {  	_ =	shalt  }
0x59: {  	_ =	shalt  }
0x5a: {  	_ =	shalt  }
0x5b: {  	_ =	shalt  }
0x5c: {  	_ =	shalt  }
0x5d: {  	_ =	shalt  }
0x5e: {  	_ =	shalt  }
0x5f: {  	_ =	shalt  }
0x60: {  	_ =	shalt  }
0x61: {  	_ =	shalt  }
0x62: {  	_ =	shalt  }
0x63: {  	_ =	shalt  }
0x64: {  	_ =	shalt  }
0x65: {  	_ =	shalt  }
0x66: {  	_ =	shalt  }
0x67: {  	_ =	shalt  }
0x68: {  	_ =	shalt  }
0x69: {  	_ =	shalt  }
0x6a: {  	_ =	shalt  }
0x6b: {  	_ =	shalt  }
0x6c: {  	_ =	shalt  }
0x6d: {  	_ =	shalt  }
0x6e: {  	_ =	shalt  }
0x6f: {  	_ =	shalt  }
0x70: {  	_ =	shalt  }
0x71: {  	_ =	shalt  }
0x72: {  	_ =	shalt  }
0x73: {  	_ =	shalt  }
0x74: {  	_ =	shalt  }
0x75: {  	_ =	shalt  }
0x76: {  	_ =	shalt  }
0x77: {  	_ =	shalt  }
0x78: {  	_ =	shalt  }
0x79: {  	_ =	shalt  }
0x7a: {  	_ =	shalt  }
0x7b: {  	_ =	shalt  }
0x7c: {  	_ =	shalt  }
0x7d: {  	_ =	shalt  }
0x7e: {  	_ =	shalt  }
0x7f: {  	_ =	shalt  }
0x80: {  	_ =	shalt  }
0x81: {  	_ =	shalt  }
0x82: {  	_ =	shalt  }
0x83: {  	_ =	shalt  }
0x84: {  	_ =	shalt  }
0x85: {  	_ =	shalt  }
0x86: {  	_ =	shalt  }
0x87: {  	_ =	shalt  }
.Lfunc_end0:
.L_simem_size_0:
called_computation.1_lowered:
.L_overlay_start_0:
0x88: {  	s2 =	sld [smem:$0x3FD9]  }
0x89: {  	s3 =	sld [smem:$0x3FFE];
	_ =	sdelay $0x1  }
0x8a: {  	s1 =	srdreg.scid  }
0x8b: {  	s0 =	sand.u32 $0x1, s1  }
0x8c: {  	s16 =	sshll.u32 s0, $0xA;
	s2 =	sadd.s32 s3, s2  }
0x8d: {  	s2 =	sadd.s32 s2, s16  }
0x8e: {  	[smem:$0x3FBB] =	sst s2  }
0x8f: {  	_ = 	snop  }
0x90: {  	(tm) =	ssettm $0x1  }
0x91: {  	s17 =	sld [smem:$0x3FFB];
	_ =	sdelay $0x3  }
0x92: {  	_ =	strace s17  }
0x93: {  	s2 =	sld [smem:$0x3FFC];
	_ =	sdelay $0x3  }
0x94: {  	_ =	strace s2  }
0x95: {  	s2 =	sld [smem:$0x3FFD];
	_ =	sdelay $0x3  }
0x96: {  	_ =	strace s2  }
0x97: {  	_ =	strace $0x8FFFFFFF  }
0x98: {  	s18 =	sld [smem:$0x3FDB];
	_ =	sdelay $0x1  }
0x99: {  	s19 =	simm.s32 $_scs_section_size  }
0x9a: {  	s4 =	simm.s32 $_size__tile_overlayer_lowered;
	s5 =	simm.s32 $_tile_overlayer_lowered  }
0x9b: {  	s22 =	simm.s32 $0x1BFF;
	s21 =	sshll.u32 s5, $0x1;
	s2 =	sadd.s32 s19, s18  }
0x9c: {  	s6 =	simm.s32 $0x0;
	s20 =	sshll.u32 s4, $0x1;
	s4 =	sadd.s32 s21, s2  }
0x9d: {  	[timem:s6], [sflag:s22] =	dma.local [hbm:s4], s20  }
0x9e: {  	_ =	swait.ge [sflag:s22], s20  }
0x9f: {  	s3 =	ssub.s32 $0x0, s20;
	[sflag:s22] =	ssyncset.done $0x0  }
0xa0: {  	[sflag:s22] =	ssyncadd.s32 s3;
	_ =	sdelay $0x1  }
0xa1: {  	s23 =	simm.s32 $0x1B8B  }
0xa2: {  	_ =	swait.ge [sflag:s23], $0x1  }
0xa3: {  	[sflag:s23] =	ssyncset.done $0x0  }
0xa4: {  	s25 =	simm.s32 $0x1B8E;
	s24 =	sld [smem:$0x3FFE];
	[sflag:s23] =	ssyncadd.s32 $0xFFFFFFFF  }
0xa5: {  	s26 =	simm.s32 $execute0_lowered;
	[smem:$0x3FD2] =	sst s25  }
0xa6: {  	s4 =	sshll.u32 s26, $0x1;
	_ =	strace $0x80000049;
	[dreg:$0x1] =	wrdreg $0xFFFFFFFF  }
0xa7: {  	s28 =	simm.s32 $_size_execute0_lowered;
	s2 =	sadd.s32 s2, s4;
	[dreg:$0x0] =	wrdreg $0x0  }
0xa8: {  	s4 =	sshll.u32 s28, $0x1;
	[dreg:$0x2] =	wrdreg s2  }
0xa9: {  	[dreg:$0x3] =	wrdreg s4  }
0xaa: {  	[dreg:$0x4] =	wrdreg $0xC0  }
0xab: {  	_ =	task [dreg:s6], $0x5FFFF  }
0xac: {  	[dreg:$0x1] =	wrdreg $0xFFFFFFFF  }
0xad: {  	[dreg:$0x0] =	wrdreg $0x60  }
0xae: {  	[dreg:$0x2] =	wrdreg s24  }
0xaf: {  	[dreg:$0x3] =	wrdreg $0xAD000  }
0xb0: {  	[dreg:$0x4] =	wrdreg $0x9  }
0xb1: {  	_ =	task.clear_ibuf [dreg:s6], $0x5FFFF;
	_ =	strace $0x90000049  }
0xb2: {  	s29 =	simm.s32 $0x9;
	_ =	strace $0x8000004B  }
0xb3: {  	_ =	swait.ge [sflag:s29], $0x1  }
0xb4: {  	[sflag:s29] =	ssyncadd.s32 $0xFFFFFFFF  }
0xb5: {  	_ =	strace $0x9000004B  }
0xb6: {  	_ =	sfence  }
0xb7: {  	s30 =	sld [smem:$0x0];
	_ =	sdelay $0x2  }
0xb8: {  	s31 =	sshll.u32 s1, $0xD;
	s1 =	sshrl.u32 s1, $0x2  }
0xb9: {  	s3 =	sand.u32 $0x4000, s31;
	s1 =	sadd.s32 s1, s30  }
0xba: {  	s0 =	sor.u32 s3, s0;
	s1 =	sshll.u32 s1, $0x11  }
0xbb: {  	s0 =	sor.u32 s1, s0  }
0xbc: {  	s0 =	sadd.s32 $0x8F2B, s0  }
0xbd: {  	[sflag:s0] =	ssyncadd.remote.s32 $0x1  }
0xbe: {  	_ =	sfence.sel $0xFFFF  }
0xbf: {  	[dreg:$0x0] =	wrdreg $0xFFFFFFFF;
	(pc) =	sbr.abs _section_cstart, $3  }
0xc0: {  	[dreg:$0x1] =	wrdreg $0xFFFFFFFF  }
0xc1: {  	_ =	task.clear_ibuf [dreg:s6], $0x2FFFF;
	_ =	strace $0x9FFFFFFF  }
0xc2: {  	(tm) =	ssettm $0x7FFFFFFF  }
0xc3: {  	_ =	shalt  }
tec
execute0_lowered:
.L_overlay_start_1:
0x0: {  	(tag) =	ssettag $0x1  }
0x1: {  	s6 =	rddreg [dreg:$0x0]  }
0x2: {  	s2 =	rddreg [dreg:$0x1]  }
0x3: {  	s0 =	rddreg [dreg:$0x2]  }
0x4: {  	s4 =	srdreg.scid;
	s1 =	stileid.u32  }
0x5: {  	s3 =	simm.s32 $0x0;
	s16 =	simm.s32 $0x1;
	s17 =	simm.s32 $0x70  }
0x6: {  	s18 =	simm.s32 $0x500;
	s19 =	simm.s32 $0x2;
	s20 =	simm.s32 $0x3  }
0x7: {  	s21 =	simm.s32 $0x0;
	s7 =	sand.u32 $0x1, s4;
	s9 =	smul.u32 $0x14000, s1  }
0x8: {  	[smem:$0x7FF] =	sst s3;
	s4 =	sadd.s32 $0x4000, s6;
	s10 =	sshll.u32 s1, $0x1  }
0x9: {  	s5 =	sadd.s32 $0x1A800, s6;
	s13 =	smul.u32 $0x50000, s1;
	s31 =	sshll.u32 s1, $0x6  }
0xa: {  	s8 =	smul.u32 $0x140000, s7;
	s10 =	sor.u32 s7, s10;
	s7 =	ssub.s32 $0x2, s7  }
0xb: {  	_ =	strace $0x8000004A;
	s11 =	smul.u32 $0xB40, s10;
	s29 =	sshrl.u32 s7, $0x1  }
0xc: {  	s30 =	sshrl.u32 s13, $0x2;
	s13 =	simm.s32 $0x100;
	s8 =	sadd.s32 s9, s8  }
.Ltmp0:
0xd: {  	s14 =	ssub.s32 s7, s29;
	s9 =	sshrl.u32 s9, $0x3;
	(pc) =	sbr.rel .LBB2_1-.Ltmp0, $4  }
0xe: {  	s15 =	sadd.s32 s30, s2;
	s8 =	sshrl.u32 s8, $0x3;
	s7 =	sadd.s32 s4, s11  }
0xf: {  	s9 =	sadd.s32 s5, s9;
	s12 =	sadd.s32 s8, s6;
	s6 =	smul.u32 $0x5A, s10  }
0x10: {  	s8 =	sadd.s32 $0x20, s7;
	s10 =	sor.u32 $0x1C04, s31;
	s11 =	sadd.s32 $0x42800, s12  }
0x11: {  	s12 =	smax.u32 s14, $0x1;
	s14 =	sshrl.u32 s15, $0x3;
	s15 =	simm.s32 $0x4  }
.LBB2_7:
0x12: {  	_ =	swait.ge [sflag:s20], $0x3800  }
0x13: {  	[sflag:s20] =	ssyncset.done $0x0  }
0x14: {  	[sflag:s20] =	ssyncadd.s32 $0xFFFFC800  }
0x15: {  	_ =	swait.ge [sflag:s20], $0x3800  }
0x16: {  	s21 =	sadd.s32 $0x1, s21;
	[sflag:s20] =	ssyncset.done $0x0  }
0x17: {  	p0 =	sne.s32 s21, s12;
	[sflag:s20] =	ssyncadd.s32 $0xFFFFC800  }
.Ltmp1:
0x18: {  	[bflag:$0x0] =	sbarrier.arrive $0xFFFF;
	(pc) =	sbr.rel @!p0 .LBB2_8-.Ltmp1, $4  }
0x19: {  	[hbm:s11], [sflag:s10] =	dma.local [spmem:s14], $0x2800  }
0x1a: {  	_ =	swait.ge [sflag:s15], $0x2800  }
0x1b: {  	[sflag:s15] =	ssyncset.done $0x0  }
0x1c: {  	[sflag:s15] =	ssyncadd.s32 $0xFFFFD800  }
.LBB2_1:
0x1d: {  	[tilespmem:s3], [sflag:$0x1] =	stream.linear.gather [hbm4b:s7+s3], $0x100, $0x38;
	[tilespmem:$0x1ED00] =	vst v63  }
0x1e: {  	_ = 	snop  }
0x1f: {  	[tilespmem:s13], [sflag:$0x1] =	stream.linear.gather [hbm4b:s8+s3], $0x100, $0x38;
	[tilespmem:$0x1ED00] =	vst v63  }
0x20: {  	[spmem:s14], [sflag:s10] =	dma.local [hbm:s9], $0x2800  }
0x21: {  	_ =	swait.ge [sflag:s15], $0x2800  }
0x22: {  	[sflag:s15] =	ssyncset.done $0x0  }
0x23: {  	[sflag:s15] =	ssyncadd.s32 $0xFFFFD800  }
.Ltmp2:
0x24: {  	[bflag:$0x0] =	sbarrier.arrive $0xFFFF;
	(pc) =	sbr.rel .LBB2_2-.Ltmp2, $4  }
0x25: {  	_ =	swait.ge [sflag:s16], $0x100  }
0x26: {  	[sflag:s16] =	ssyncset.done $0x0  }
0x27: {  	s22 =	simm.s32 $0x0;
	[sflag:s16] =	ssyncadd.s32 $0xFFFFFF00  }
0x28: {  	[tilespmem:s18], [sflag:$0x2] =	stream.indirect.gather [hbm4b:s5+s17], $0x80, s3, s17, $0xb8;
	[tilespmem:$0x1ED00] =	vst v63  }
.LBB2_3:
0x29: {  	s23 =	sadd.s32 $0x2, s22  }
0x2a: {  	s24 =	smul.u32 $0xCD, s23;
	_ =	sdelay $0x1  }
0x2b: {  	s24 =	sshrl.u32 s24, $0xA  }
0x2c: {  	s24 =	sand.u32 $0x3F, s24  }
0x2d: {  	s24 =	smul.u32 $0x5, s24  }
0x2e: {  	s25 =	sadd.s32 s6, s23  }
0x2f: {  	s31 =	sshll.u32 s25, $0x5;
	s23 =	ssub.s32 s23, s24  }
0x30: {  	s24 =	sand.u32 $0x1FFFFFE0, s31;
	s23 =	sand.u32 $0xFF, s23  }
0x31: {  	s24 =	sadd.s32 s4, s24;
	s23 =	sshll.u32 s23, $0x8  }
0x32: {  	[tilespmem:s23], [sflag:$0x1] =	stream.linear.gather [hbm4b:s24+s3], $0x100, $0x38;
	[tilespmem:$0x1ED00] =	vst v63  }
.LBB2_5:
0x33: {  	s23 =	sadd.s32 $0x1, s22  }
0x34: {  	s24 =	smul.u32 $0xAB, s23;
	_ =	sdelay $0x1  }
0x35: {  	s24 =	sshrl.u32 s24, $0x9  }
0x36: {  	s25 =	smul.u32 $0xCD, s23;
	s24 =	sand.u32 $0x7F, s24  }
0x37: {  	s24 =	smul.u32 $0x3, s24  }
0x38: {  	s25 =	sshrl.u32 s25, $0xA  }
0x39: {  	s25 =	sand.u32 $0x3F, s25;
	s24 =	ssub.s32 s23, s24  }
0x3a: {  	s25 =	smul.u32 $0x5, s25;
	s24 =	sand.u32 $0xFF, s24  }
0x3b: {  	s24 =	smul.u32 $0xE000, s24  }
0x3c: {  	_ =	swait.ge [sflag:s16], $0x100;
	s25 =	ssub.s32 s23, s25  }
0x3d: {  	[sflag:s16] =	ssyncset.done $0x0;
	s25 =	sand.u32 $0xFF, s25;
	s24 =	sshrl.u32 s24, $0x2  }
0x3e: {  	[sflag:s16] =	ssyncadd.s32 $0xFFFFFF00;
	s25 =	sshll.u32 s25, $0x8;
	s24 =	sor.u32 $0x500, s24  }
0x3f: {  	[tilespmem:s24], [sflag:$0x2] =	stream.indirect.gather [hbm4b:s5+s17], $0x80, s25, s17, $0xb8;
	[tilespmem:$0x1ED00] =	vst v63  }
.LBB2_6:
0x40: {  	s24 =	smul.u32 $0xAB, s22;
	_ =	sdelay $0x1  }
0x41: {  	s25 =	smul.u32 $0xCD, s22;
	s24 =	sshrl.u32 s24, $0x9  }
0x42: {  	s24 =	sand.u32 $0x7F, s24  }
0x43: {  	s25 =	sshrl.u32 s25, $0xA;
	s24 =	smul.u32 $0x3, s24  }
0x44: {  	s25 =	sand.u32 $0x3F, s25  }
0x45: {  	s25 =	smul.u32 $0x5, s25;
	s24 =	ssub.s32 s22, s24  }
0x46: {  	s24 =	sand.u32 $0xFF, s24  }
0x47: {  	p0 =	slt.u32 s23, $0x5A;
	s31 =	ssub.s32 s22, s25;
	s24 =	smul.u32 $0xE000, s24  }
.Ltmp3:
0x48: {  	_ =	swait.ge [sflag:s19], $0x3800;
	s22 =	sand.u32 $0xFF, s31;
	(pc) =	sbr.rel @!p0 .LBB2_7-.Ltmp3, $4  }
0x49: {  	[sflag:s19] =	ssyncset.done $0x0;
	s22 =	sshll.u32 s22, $0x8;
	s24 =	sshrl.u32 s24, $0x2  }
0x4a: {  	[sflag:s19] =	ssyncadd.s32 $0xFFFFC800;
	s22 =	sor.u32 $0x80, s22;
	s24 =	sor.u32 $0x500, s24  }
0x4b: {  	[spmem:s2] =	stream.indirect.scatter.add.f32 [tilespmem:s24], [sflag:$0x3], $0x80, s22, s17, $0xb8;
	[tilespmem:$0x1ED00] =	vst v63  }
0x4c: {  	s22 =	smov.u32 s23  }
.LBB2_2:
0x4d: {  	p0 =	slt.u32 s22, $0x2  }
0x4e: {  	p1 =	sgt.u32 @!p0 s22, $0x57  }
0x4f: {  	p1 =	por p0, !p1  }
.Ltmp4:
0x50: {  	_ = 	snop;
	(pc) =	sbr.rel @p1 .LBB2_3-.Ltmp4, $4  }
0x51: {  	s23 =	simm.s32 @!p0 $0x3  }
0x52: {  	_ =	swait.ge @!p0 [sflag:s23], $0x3800  }
0x53: {  	[sflag:s23] =	ssyncset.done @!p0 $0x0  }
0x54: {  	[sflag:s23] =	ssyncadd.s32 @!p0 $0xFFFFC800  }
0x55: {  	p0 =	seq.s32 s22, $0x59  }
.Ltmp5:
0x56: {  	_ = 	snop;
	(pc) =	sbr.rel @p0 .LBB2_6-.Ltmp5, $4  }
.Ltmp6:
0x57: {  	_ = 	snop;
	(pc) =	sbr.rel @!p0 .LBB2_5-.Ltmp6, $4  }
0x58: {  	_ = 	snop  }
0x59: {  	_ = 	snop  }
0x5a: {  	s23 =	simm.s32 $0x5A  }
0x5b: {  	_ = 	snop  }
.LBB2_8:
0x5c: {  	_ =	sfence.sel $0x180000  }
0x5d: {  	[bflag:$0x0] =	sbarrier.arrive $0xFFFF  }
0x5e: {  	p0 =	sne.s32 s1, $0x0;
	_ =	strace $0x9000004A  }
0x5f: {  	s0 =	sadd.s32 @!p0 $0x100000, s0;
	[bflag:$0x2] =	sbarrier.arrive $0xFFFF  }
0x60: {  	[sflag:s0] =	ssyncadd.tile.s32 @!p0 $0x1;
	_ =	shalt  }
.Lfunc_end2:
_tile_overlayer_lowered:
.L_overlay_start_2:
0x61: {  	(tag) =	ssettag $0x2  }
0x62: {  	s0 =	rddreg [dreg:$0x0];
	s2 =	stileid.u32  }
0x63: {  	s1 =	rddreg [dreg:$0x1];
	p0 =	sne.s32 s2, $0x0  }
0x64: {  	s3 =	rddreg [dreg:$0x2];
	[bflag:$0x3] =	sbarrier.arrive $0xFFFF;
	s2 =	simm.s32 @!p0 $0x1C04  }
0x65: {  	[timem:s3], [sflag:s2] =	dma.local @!p0 [hbm:s0], s1  }
0x66: {  	s0 =	simm.s32 @!p0 $0x4  }
0x67: {  	_ =	swait.ge @!p0 [sflag:s0], s1  }
0x68: {  	s1 =	ssub.s32 @!p0 $0x0, s1;
	[sflag:s0] =	ssyncset.done @!p0 $0x0  }
0x69: {  	[sflag:s0] =	ssyncadd.s32 @!p0 s1  }
0x6a: {  	[bflag:$0x3] =	sbarrier.arrive $0xFFFF  }
0x6b: {  	_ =	shalt  }

// kernel: kernel.14.cloned.1.call-start
scs
__scs_entry_jumppad:
0x0: {  	(pc) =	sbr.rel $0x88, $3  }
0x1: {  	(tag) =	ssettag $0x0;
	lr =	simm.s32 $0x1  }
0x2: {  	[smem:$0x3F94] =	sst lr;
	_ =	strace $0xD0000000  }
0x3: {  	_ = 	snop  }
0x4: {  	_ = 	snop  }
0x5: {  	_ = 	snop  }
0x6: {  	_ = 	snop  }
0x7: {  	_ = 	snop  }
__scs_overlays_trampoline_lowered:
0x8: {  	[smem:$0x3FA3] =	sst s0  }
0x9: {  	[smem:$0x3FA4] =	sst s1  }
0xa: {  	[smem:$0x3FA5] =	sst s2  }
0xb: {  	[smem:$0x3FA6] =	sst s3  }
0xc: {  	[smem:$0x3FA7] =	sst s4  }
0xd: {  	[smem:$0x3FA8] =	sst s5  }
0xe: {  	[smem:$0x3FA9] =	sst s6  }
0xf: {  	[smem:$0x3FAA] =	sst s7  }
0x10: {  	[smem:$0x3FAB] =	sst s8  }
0x11: {  	[smem:$0x3FAC] =	sst s9;
	s0 =	simm.s32 @!p0 $0x0  }
0x12: {  	s1 =	sld [smem:$0x3F92];
	s0 =	simm.s32 @p0 $0x1  }
0x13: {  	[smem:$0x3FAD] =	sst s0;
	s0 =	simm.s32 @!p1 $0x0  }
0x14: {  	s2 =	sld [smem:$0x3F91];
	s0 =	simm.s32 @p1 $0x1  }
0x15: {  	[smem:$0x3FAE] =	sst s0;
	s0 =	simm.s32 @!p2 $0x0  }
0x16: {  	s3 =	sld [smem:$0x3FDB];
	s0 =	simm.s32 @p2 $0x1  }
0x17: {  	s4 =	simm.s32 $0x1BF5;
	[smem:$0x3FB0] =	sst s0  }
0x18: {  	s0 =	sld [smem:$0x3F93];
	_ =	swait.ge [sflag:s4], $0x0  }
0x19: {  	s7 =	sld [smem:$0x3F94]  }
0x1a: {  	s8 =	sadd.s32 $0xFFFFE003, lr  }
0x1b: {  	s9 =	sadd.s32 $0xFFFFFEF7, lr;
	s5 =	simm.s32 $0xFFFFFFFF;
	p2 =	slt.u32 s8, $0xFFFFF086  }
0x1c: {  	p1 =	slt.u32 s9, $0xF7A;
	s5 =	simm.s32 @!p2 $0x0  }
0x1d: {  	s5 =	simm.s32 @p1 $0x1;
	p0 =	seq.s32 s7, s2  }
0x1e: {  	s7 =	smul.u32 @!p0 $0xF7A, s2;
	p2 =	seq.s32 @!p0 s5, $0x0  }
0x1f: {  	s9 =	smul.u32 $0xF7A, s1;
	s8 =	simm.s32 @!p0 $0x1BF5;
	p2 =	por !p2, p0  }
0x20: {  	[sflag:s8] =	ssyncset.s32 @!p0 $0xFFFFF086;
	s6 =	sadd.s32 @!p0 s3, s7;
	s7 =	simm.s32 @!p0 $0x108  }
0x21: {  	s3 =	sadd.s32 s3, s9;
	s6 =	sadd.s32 @!p0 $0x88, s6;
	s7 =	simm.s32 @p2 $0x1082  }
0x22: {  	[simem:s7], [sflag:s8] =	dma.local @!p0 [hbm:s6], $0xF7A  }
0x23: {  	s9 =	sor.u32 $0xD0000000, s2;
	s6 =	simm.s32 $0x108;
	_ =	swait.ge @!p0 [sflag:s8], $0x0  }
0x24: {  	s3 =	sadd.s32 $0x88, s3;
	s6 =	simm.s32 @!p1 $0x1082;
	[sflag:s4] =	ssyncset.s32 $0xFFFFF086  }
0x25: {  	[simem:s6], [sflag:s4] =	dma.local [hbm:s3], $0xF7A  }
0x26: {  	[smem:$0x3F94] =	sst s1;
	(tag) =	ssettag s2;
	_ =	strace s9  }
0x27: {  	s1 =	sld [smem:$0x3FA4]  }
0x28: {  	s2 =	sld [smem:$0x3FA5]  }
0x29: {  	s4 =	sld [smem:$0x3FA7]  }
0x2a: {  	p0 =	seq.s32 s5, $0x0;
	s5 =	sld [smem:$0x3FA8]  }
0x2b: {  	s6 =	sld [smem:$0x3FA9]  }
0x2c: {  	s7 =	sld [smem:$0x3FAA]  }
0x2d: {  	s3 =	simm.s32 $0x108;
	s8 =	sld [smem:$0x3FAB]  }
0x2e: {  	s3 =	simm.s32 @!p0 $0x1082;
	s9 =	sld [smem:$0x3FAC]  }
0x2f: {  	lr =	sadd.s32 s0, s3;
	s0 =	sld [smem:$0x3FA3]  }
0x30: {  	s3 =	sld [smem:$0x3FA6]  }
0x31: {  	[smem:$0x3FAF] =	sst s10  }
0x32: {  	s10 =	sld [smem:$0x3FAD];
	_ =	sdelay $0x3  }
0x33: {  	p0 =	seq.s32 s10, $0x1;
	s10 =	sld [smem:$0x3FAF];
	_ =	sdelay $0x3  }
0x34: {  	[smem:$0x3FAF] =	sst s10  }
0x35: {  	s10 =	sld [smem:$0x3FAE];
	_ =	sdelay $0x3  }
0x36: {  	p1 =	seq.s32 s10, $0x1;
	s10 =	sld [smem:$0x3FAF];
	_ =	sdelay $0x3  }
0x37: {  	[smem:$0x3FAF] =	sst s10  }
0x38: {  	s10 =	sld [smem:$0x3FB0]  }
0x39: {  	_ = 	snop;
	(pc) =	sbr.ind lr, $3  }
0x3a: {  	_ = 	snop  }
0x3b: {  	_ = 	snop  }
0x3c: {  	p2 =	seq.s32 s10, $0x1;
	s10 =	sld [smem:$0x3FAF]  }
0x3d: {  	_ =	shalt  }
0x3e: {  	_ =	shalt  }
0x3f: {  	_ =	shalt  }
0x40: {  	_ =	shalt  }
0x41: {  	_ =	shalt  }
0x42: {  	_ =	shalt  }
0x43: {  	_ =	shalt  }
0x44: {  	_ =	shalt  }
0x45: {  	_ =	shalt  }
0x46: {  	_ =	shalt  }
0x47: {  	_ =	shalt  }
0x48: {  	_ =	shalt  }
0x49: {  	_ =	shalt  }
0x4a: {  	_ =	shalt  }
0x4b: {  	_ =	shalt  }
0x4c: {  	_ =	shalt  }
0x4d: {  	_ =	shalt  }
0x4e: {  	_ =	shalt  }
0x4f: {  	_ =	shalt  }
0x50: {  	_ =	shalt  }
0x51: {  	_ =	shalt  }
0x52: {  	_ =	shalt  }
0x53: {  	_ =	shalt  }
0x54: {  	_ =	shalt  }
0x55: {  	_ =	shalt  }
0x56: {  	_ =	shalt  }
0x57: {  	_ =	shalt  }
0x58: {  	_ =	shalt  }
0x59: {  	_ =	shalt  }
0x5a: {  	_ =	shalt  }
0x5b: {  	_ =	shalt  }
0x5c: {  	_ =	shalt  }
0x5d: {  	_ =	shalt  }
0x5e: {  	_ =	shalt  }
0x5f: {  	_ =	shalt  }
0x60: {  	_ =	shalt  }
0x61: {  	_ =	shalt  }
0x62: {  	_ =	shalt  }
0x63: {  	_ =	shalt  }
0x64: {  	_ =	shalt  }
0x65: {  	_ =	shalt  }
0x66: {  	_ =	shalt  }
0x67: {  	_ =	shalt  }
0x68: {  	_ =	shalt  }
0x69: {  	_ =	shalt  }
0x6a: {  	_ =	shalt  }
0x6b: {  	_ =	shalt  }
0x6c: {  	_ =	shalt  }
0x6d: {  	_ =	shalt  }
0x6e: {  	_ =	shalt  }
0x6f: {  	_ =	shalt  }
0x70: {  	_ =	shalt  }
0x71: {  	_ =	shalt  }
0x72: {  	_ =	shalt  }
0x73: {  	_ =	shalt  }
0x74: {  	_ =	shalt  }
0x75: {  	_ =	shalt  }
0x76: {  	_ =	shalt  }
0x77: {  	_ =	shalt  }
0x78: {  	_ =	shalt  }
0x79: {  	_ =	shalt  }
0x7a: {  	_ =	shalt  }
0x7b: {  	_ =	shalt  }
0x7c: {  	_ =	shalt  }
0x7d: {  	_ =	shalt  }
0x7e: {  	_ =	shalt  }
0x7f: {  	_ =	shalt  }
0x80: {  	_ =	shalt  }
0x81: {  	_ =	shalt  }
0x82: {  	_ =	shalt  }
0x83: {  	_ =	shalt  }
0x84: {  	_ =	shalt  }
0x85: {  	_ =	shalt  }
0x86: {  	_ =	shalt  }
0x87: {  	_ =	shalt  }
.Lfunc_end0:
.L_simem_size_0:
called_computation.2_lowered:
.L_overlay_start_0:
0x88: {  	s2 =	sld [smem:$0x3FD9]  }
0x89: {  	s3 =	sld [smem:$0x3FFE];
	_ =	sdelay $0x1  }
0x8a: {  	s1 =	srdreg.scid  }
0x8b: {  	s0 =	sand.u32 $0x1, s1  }
0x8c: {  	s16 =	sshll.u32 s0, $0xA;
	s2 =	sadd.s32 s3, s2  }
0x8d: {  	s2 =	sadd.s32 s2, s16  }
0x8e: {  	[smem:$0x3FBB] =	sst s2  }
0x8f: {  	_ = 	snop  }
0x90: {  	(tm) =	ssettm $0x1  }
0x91: {  	s17 =	sld [smem:$0x3FFB];
	_ =	sdelay $0x3  }
0x92: {  	_ =	strace s17  }
0x93: {  	s2 =	sld [smem:$0x3FFC];
	_ =	sdelay $0x3  }
0x94: {  	_ =	strace s2  }
0x95: {  	s2 =	sld [smem:$0x3FFD];
	_ =	sdelay $0x3  }
0x96: {  	_ =	strace s2  }
0x97: {  	_ =	strace $0x8FFFFFFF  }
0x98: {  	s18 =	sld [smem:$0x3FDB];
	_ =	sdelay $0x1  }
0x99: {  	s19 =	simm.s32 $_scs_section_size  }
0x9a: {  	s4 =	simm.s32 $_size__tile_overlayer_lowered;
	s5 =	simm.s32 $_tile_overlayer_lowered  }
0x9b: {  	s22 =	simm.s32 $0x1BFF;
	s21 =	sshll.u32 s5, $0x1;
	s2 =	sadd.s32 s19, s18  }
0x9c: {  	s6 =	simm.s32 $0x0;
	s20 =	sshll.u32 s4, $0x1;
	s4 =	sadd.s32 s21, s2  }
0x9d: {  	[timem:s6], [sflag:s22] =	dma.local [hbm:s4], s20  }
0x9e: {  	_ =	swait.ge [sflag:s22], s20  }
0x9f: {  	s3 =	ssub.s32 $0x0, s20;
	[sflag:s22] =	ssyncset.done $0x0  }
0xa0: {  	[sflag:s22] =	ssyncadd.s32 s3;
	_ =	sdelay $0x1  }
0xa1: {  	s23 =	simm.s32 $0x1B8B  }
0xa2: {  	_ =	swait.ge [sflag:s23], $0x1  }
0xa3: {  	[sflag:s23] =	ssyncset.done $0x0  }
0xa4: {  	s25 =	simm.s32 $0x1B8E;
	s24 =	sld [smem:$0x3FFE];
	[sflag:s23] =	ssyncadd.s32 $0xFFFFFFFF  }
0xa5: {  	s26 =	simm.s32 $execute0_lowered;
	[smem:$0x3FD2] =	sst s25  }
0xa6: {  	s4 =	sshll.u32 s26, $0x1;
	_ =	strace $0x8000004C;
	[dreg:$0x1] =	wrdreg $0xFFFFFFFF  }
0xa7: {  	s28 =	simm.s32 $_size_execute0_lowered;
	s2 =	sadd.s32 s2, s4;
	[dreg:$0x0] =	wrdreg $0x0  }
0xa8: {  	s4 =	sshll.u32 s28, $0x1;
	[dreg:$0x2] =	wrdreg s2  }
0xa9: {  	[dreg:$0x3] =	wrdreg s4  }
0xaa: {  	[dreg:$0x4] =	wrdreg $0xC0  }
0xab: {  	_ =	task [dreg:s6], $0x5FFFF  }
0xac: {  	[dreg:$0x1] =	wrdreg $0xFFFFFFFF  }
0xad: {  	[dreg:$0x0] =	wrdreg $0x60  }
0xae: {  	[dreg:$0x2] =	wrdreg s24  }
0xaf: {  	[dreg:$0x3] =	wrdreg $0xAD000  }
0xb0: {  	[dreg:$0x4] =	wrdreg $0x9  }
0xb1: {  	_ =	task.clear_ibuf [dreg:s6], $0x5FFFF;
	_ =	strace $0x9000004C  }
0xb2: {  	s29 =	simm.s32 $0x9;
	_ =	strace $0x8000004E  }
0xb3: {  	_ =	swait.ge [sflag:s29], $0x1  }
0xb4: {  	[sflag:s29] =	ssyncadd.s32 $0xFFFFFFFF  }
0xb5: {  	_ =	strace $0x9000004E  }
0xb6: {  	_ =	sfence  }
0xb7: {  	s30 =	sld [smem:$0x0];
	_ =	sdelay $0x2  }
0xb8: {  	s31 =	sshll.u32 s1, $0xD;
	s1 =	sshrl.u32 s1, $0x2  }
0xb9: {  	s3 =	sand.u32 $0x4000, s31;
	s1 =	sadd.s32 s1, s30  }
0xba: {  	s0 =	sor.u32 s3, s0;
	s1 =	sshll.u32 s1, $0x11  }
0xbb: {  	s0 =	sor.u32 s1, s0  }
0xbc: {  	s0 =	sadd.s32 $0x8F2B, s0  }
0xbd: {  	[sflag:s0] =	ssyncadd.remote.s32 $0x1  }
0xbe: {  	_ =	sfence.sel $0xFFFF  }
0xbf: {  	[dreg:$0x0] =	wrdreg $0xFFFFFFFF;
	(pc) =	sbr.abs _section_cstart, $3  }
0xc0: {  	[dreg:$0x1] =	wrdreg $0xFFFFFFFF  }
0xc1: {  	_ =	task.clear_ibuf [dreg:s6], $0x2FFFF;
	_ =	strace $0x9FFFFFFF  }
0xc2: {  	(tm) =	ssettm $0x7FFFFFFF  }
0xc3: {  	_ =	shalt  }
tec
execute0_lowered:
.L_overlay_start_1:
0x0: {  	(tag) =	ssettag $0x1  }
0x1: {  	s6 =	rddreg [dreg:$0x0]  }
0x2: {  	s2 =	rddreg [dreg:$0x1]  }
0x3: {  	s0 =	rddreg [dreg:$0x2]  }
0x4: {  	s4 =	srdreg.scid;
	s1 =	stileid.u32  }
0x5: {  	s3 =	simm.s32 $0x0;
	s16 =	simm.s32 $0x1;
	s17 =	simm.s32 $0x70  }
0x6: {  	s18 =	simm.s32 $0x500;
	s19 =	simm.s32 $0x2;
	s20 =	simm.s32 $0x3  }
0x7: {  	s21 =	simm.s32 $0x0;
	s7 =	sand.u32 $0x1, s4;
	s9 =	smul.u32 $0x14000, s1  }
0x8: {  	[smem:$0x7FF] =	sst s3;
	s4 =	sadd.s32 $0x4000, s6;
	s10 =	sshll.u32 s1, $0x1  }
0x9: {  	s5 =	sadd.s32 $0x1A800, s6;
	s13 =	smul.u32 $0x50000, s1;
	s31 =	sshll.u32 s1, $0x6  }
0xa: {  	s8 =	smul.u32 $0x140000, s7;
	s10 =	sor.u32 s7, s10;
	s7 =	ssub.s32 $0x2, s7  }
0xb: {  	_ =	strace $0x8000004D;
	s11 =	smul.u32 $0xB40, s10;
	s29 =	sshrl.u32 s7, $0x1  }
0xc: {  	s30 =	sshrl.u32 s13, $0x2;
	s13 =	simm.s32 $0x100;
	s8 =	sadd.s32 s9, s8  }
.Ltmp0:
0xd: {  	s14 =	ssub.s32 s7, s29;
	s9 =	sshrl.u32 s9, $0x3;
	(pc) =	sbr.rel .LBB2_1-.Ltmp0, $4  }
0xe: {  	s15 =	sadd.s32 s30, s2;
	s8 =	sshrl.u32 s8, $0x3;
	s7 =	sadd.s32 s4, s11  }
0xf: {  	s9 =	sadd.s32 s5, s9;
	s12 =	sadd.s32 s8, s6;
	s6 =	smul.u32 $0x5A, s10  }
0x10: {  	s8 =	sadd.s32 $0x20, s7;
	s10 =	sor.u32 $0x1C04, s31;
	s11 =	sadd.s32 $0x42800, s12  }
0x11: {  	s12 =	smax.u32 s14, $0x1;
	s14 =	sshrl.u32 s15, $0x3;
	s15 =	simm.s32 $0x4  }
.LBB2_7:
0x12: {  	_ =	swait.ge [sflag:s20], $0x3800  }
0x13: {  	[sflag:s20] =	ssyncset.done $0x0  }
0x14: {  	[sflag:s20] =	ssyncadd.s32 $0xFFFFC800  }
0x15: {  	_ =	swait.ge [sflag:s20], $0x3800  }
0x16: {  	s21 =	sadd.s32 $0x1, s21;
	[sflag:s20] =	ssyncset.done $0x0  }
0x17: {  	p0 =	sne.s32 s21, s12;
	[sflag:s20] =	ssyncadd.s32 $0xFFFFC800  }
.Ltmp1:
0x18: {  	[bflag:$0x0] =	sbarrier.arrive $0xFFFF;
	(pc) =	sbr.rel @!p0 .LBB2_8-.Ltmp1, $4  }
0x19: {  	[hbm:s11], [sflag:s10] =	dma.local [spmem:s14], $0x2800  }
0x1a: {  	_ =	swait.ge [sflag:s15], $0x2800  }
0x1b: {  	[sflag:s15] =	ssyncset.done $0x0  }
0x1c: {  	[sflag:s15] =	ssyncadd.s32 $0xFFFFD800  }
.LBB2_1:
0x1d: {  	[tilespmem:s3], [sflag:$0x1] =	stream.linear.gather [hbm4b:s7+s3], $0x100, $0x38;
	[tilespmem:$0x1ED00] =	vst v63  }
0x1e: {  	_ = 	snop  }
0x1f: {  	[tilespmem:s13], [sflag:$0x1] =	stream.linear.gather [hbm4b:s8+s3], $0x100, $0x38;
	[tilespmem:$0x1ED00] =	vst v63  }
0x20: {  	[spmem:s14], [sflag:s10] =	dma.local [hbm:s9], $0x2800  }
0x21: {  	_ =	swait.ge [sflag:s15], $0x2800  }
0x22: {  	[sflag:s15] =	ssyncset.done $0x0  }
0x23: {  	[sflag:s15] =	ssyncadd.s32 $0xFFFFD800  }
.Ltmp2:
0x24: {  	[bflag:$0x0] =	sbarrier.arrive $0xFFFF;
	(pc) =	sbr.rel .LBB2_2-.Ltmp2, $4  }
0x25: {  	_ =	swait.ge [sflag:s16], $0x100  }
0x26: {  	[sflag:s16] =	ssyncset.done $0x0  }
0x27: {  	s22 =	simm.s32 $0x0;
	[sflag:s16] =	ssyncadd.s32 $0xFFFFFF00  }
0x28: {  	[tilespmem:s18], [sflag:$0x2] =	stream.indirect.gather [hbm4b:s5+s17], $0x80, s3, s17, $0xb8;
	[tilespmem:$0x1ED00] =	vst v63  }
.LBB2_3:
0x29: {  	s23 =	sadd.s32 $0x2, s22  }
0x2a: {  	s24 =	smul.u32 $0xCD, s23;
	_ =	sdelay $0x1  }
0x2b: {  	s24 =	sshrl.u32 s24, $0xA  }
0x2c: {  	s24 =	sand.u32 $0x3F, s24  }
0x2d: {  	s24 =	smul.u32 $0x5, s24  }
0x2e: {  	s25 =	sadd.s32 s6, s23  }
0x2f: {  	s31 =	sshll.u32 s25, $0x5;
	s23 =	ssub.s32 s23, s24  }
0x30: {  	s24 =	sand.u32 $0x1FFFFFE0, s31;
	s23 =	sand.u32 $0xFF, s23  }
0x31: {  	s24 =	sadd.s32 s4, s24;
	s23 =	sshll.u32 s23, $0x8  }
0x32: {  	[tilespmem:s23], [sflag:$0x1] =	stream.linear.gather [hbm4b:s24+s3], $0x100, $0x38;
	[tilespmem:$0x1ED00] =	vst v63  }
.LBB2_5:
0x33: {  	s23 =	sadd.s32 $0x1, s22  }
0x34: {  	s24 =	smul.u32 $0xAB, s23;
	_ =	sdelay $0x1  }
0x35: {  	s24 =	sshrl.u32 s24, $0x9  }
0x36: {  	s25 =	smul.u32 $0xCD, s23;
	s24 =	sand.u32 $0x7F, s24  }
0x37: {  	s24 =	smul.u32 $0x3, s24  }
0x38: {  	s25 =	sshrl.u32 s25, $0xA  }
0x39: {  	s25 =	sand.u32 $0x3F, s25;
	s24 =	ssub.s32 s23, s24  }
0x3a: {  	s25 =	smul.u32 $0x5, s25;
	s24 =	sand.u32 $0xFF, s24  }
0x3b: {  	s24 =	smul.u32 $0xE000, s24  }
0x3c: {  	_ =	swait.ge [sflag:s16], $0x100;
	s25 =	ssub.s32 s23, s25  }
0x3d: {  	[sflag:s16] =	ssyncset.done $0x0;
	s25 =	sand.u32 $0xFF, s25;
	s24 =	sshrl.u32 s24, $0x2  }
0x3e: {  	[sflag:s16] =	ssyncadd.s32 $0xFFFFFF00;
	s25 =	sshll.u32 s25, $0x8;
	s24 =	sor.u32 $0x500, s24  }
0x3f: {  	[tilespmem:s24], [sflag:$0x2] =	stream.indirect.gather [hbm4b:s5+s17], $0x80, s25, s17, $0xb8;
	[tilespmem:$0x1ED00] =	vst v63  }
.LBB2_6:
0x40: {  	s24 =	smul.u32 $0xAB, s22;
	_ =	sdelay $0x1  }
0x41: {  	s25 =	smul.u32 $0xCD, s22;
	s24 =	sshrl.u32 s24, $0x9  }
0x42: {  	s24 =	sand.u32 $0x7F, s24  }
0x43: {  	s25 =	sshrl.u32 s25, $0xA;
	s24 =	smul.u32 $0x3, s24  }
0x44: {  	s25 =	sand.u32 $0x3F, s25  }
0x45: {  	s25 =	smul.u32 $0x5, s25;
	s24 =	ssub.s32 s22, s24  }
0x46: {  	s24 =	sand.u32 $0xFF, s24  }
0x47: {  	p0 =	slt.u32 s23, $0x5A;
	s31 =	ssub.s32 s22, s25;
	s24 =	smul.u32 $0xE000, s24  }
.Ltmp3:
0x48: {  	_ =	swait.ge [sflag:s19], $0x3800;
	s22 =	sand.u32 $0xFF, s31;
	(pc) =	sbr.rel @!p0 .LBB2_7-.Ltmp3, $4  }
0x49: {  	[sflag:s19] =	ssyncset.done $0x0;
	s22 =	sshll.u32 s22, $0x8;
	s24 =	sshrl.u32 s24, $0x2  }
0x4a: {  	[sflag:s19] =	ssyncadd.s32 $0xFFFFC800;
	s22 =	sor.u32 $0x80, s22;
	s24 =	sor.u32 $0x500, s24  }
0x4b: {  	[spmem:s2] =	stream.indirect.scatter.add.f32 [tilespmem:s24], [sflag:$0x3], $0x80, s22, s17, $0xb8;
	[tilespmem:$0x1ED00] =	vst v63  }
0x4c: {  	s22 =	smov.u32 s23  }
.LBB2_2:
0x4d: {  	p0 =	slt.u32 s22, $0x2  }
0x4e: {  	p1 =	sgt.u32 @!p0 s22, $0x57  }
0x4f: {  	p1 =	por p0, !p1  }
.Ltmp4:
0x50: {  	_ = 	snop;
	(pc) =	sbr.rel @p1 .LBB2_3-.Ltmp4, $4  }
0x51: {  	s23 =	simm.s32 @!p0 $0x3  }
0x52: {  	_ =	swait.ge @!p0 [sflag:s23], $0x3800  }
0x53: {  	[sflag:s23] =	ssyncset.done @!p0 $0x0  }
0x54: {  	[sflag:s23] =	ssyncadd.s32 @!p0 $0xFFFFC800  }
0x55: {  	p0 =	seq.s32 s22, $0x59  }
.Ltmp5:
0x56: {  	_ = 	snop;
	(pc) =	sbr.rel @p0 .LBB2_6-.Ltmp5, $4  }
.Ltmp6:
0x57: {  	_ = 	snop;
	(pc) =	sbr.rel @!p0 .LBB2_5-.Ltmp6, $4  }
0x58: {  	_ = 	snop  }
0x59: {  	_ = 	snop  }
0x5a: {  	s23 =	simm.s32 $0x5A  }
0x5b: {  	_ = 	snop  }
.LBB2_8:
0x5c: {  	_ =	sfence.sel $0x180000  }
0x5d: {  	[bflag:$0x0] =	sbarrier.arrive $0xFFFF  }
0x5e: {  	p0 =	sne.s32 s1, $0x0;
	_ =	strace $0x9000004D  }
0x5f: {  	s0 =	sadd.s32 @!p0 $0x100000, s0;
	[bflag:$0x2] =	sbarrier.arrive $0xFFFF  }
0x60: {  	[sflag:s0] =	ssyncadd.tile.s32 @!p0 $0x1;
	_ =	shalt  }
.Lfunc_end2:
_tile_overlayer_lowered:
.L_overlay_start_2:
0x61: {  	(tag) =	ssettag $0x2  }
0x62: {  	s0 =	rddreg [dreg:$0x0];
	s2 =	stileid.u32  }
0x63: {  	s1 =	rddreg [dreg:$0x1];
	p0 =	sne.s32 s2, $0x0  }
0x64: {  	s3 =	rddreg [dreg:$0x2];
	[bflag:$0x3] =	sbarrier.arrive $0xFFFF;
	s2 =	simm.s32 @!p0 $0x1C04  }
0x65: {  	[timem:s3], [sflag:s2] =	dma.local @!p0 [hbm:s0], s1  }
0x66: {  	s0 =	simm.s32 @!p0 $0x4  }
0x67: {  	_ =	swait.ge @!p0 [sflag:s0], s1  }
0x68: {  	s1 =	ssub.s32 @!p0 $0x0, s1;
	[sflag:s0] =	ssyncset.done @!p0 $0x0  }
0x69: {  	[sflag:s0] =	ssyncadd.s32 @!p0 s1  }
0x6a: {  	[bflag:$0x3] =	sbarrier.arrive $0xFFFF  }
0x6b: {  	_ =	shalt  }

// kernel: kernel.8.cloned.1.call-start
scs
__scs_entry_jumppad:
0x0: {  	(pc) =	sbr.rel $0x88, $3  }
0x1: {  	(tag) =	ssettag $0x0;
	lr =	simm.s32 $0x1  }
0x2: {  	[smem:$0x3F94] =	sst lr;
	_ =	strace $0xD0000000  }
0x3: {  	_ = 	snop  }
0x4: {  	_ = 	snop  }
0x5: {  	_ = 	snop  }
0x6: {  	_ = 	snop  }
0x7: {  	_ = 	snop  }
__scs_overlays_trampoline_lowered:
0x8: {  	[smem:$0x3FA3] =	sst s0  }
0x9: {  	[smem:$0x3FA4] =	sst s1  }
0xa: {  	[smem:$0x3FA5] =	sst s2  }
0xb: {  	[smem:$0x3FA6] =	sst s3  }
0xc: {  	[smem:$0x3FA7] =	sst s4  }
0xd: {  	[smem:$0x3FA8] =	sst s5  }
0xe: {  	[smem:$0x3FA9] =	sst s6  }
0xf: {  	[smem:$0x3FAA] =	sst s7  }
0x10: {  	[smem:$0x3FAB] =	sst s8  }
0x11: {  	[smem:$0x3FAC] =	sst s9;
	s0 =	simm.s32 @!p0 $0x0  }
0x12: {  	s1 =	sld [smem:$0x3F92];
	s0 =	simm.s32 @p0 $0x1  }
0x13: {  	[smem:$0x3FAD] =	sst s0;
	s0 =	simm.s32 @!p1 $0x0  }
0x14: {  	s2 =	sld [smem:$0x3F91];
	s0 =	simm.s32 @p1 $0x1  }
0x15: {  	[smem:$0x3FAE] =	sst s0;
	s0 =	simm.s32 @!p2 $0x0  }
0x16: {  	s3 =	sld [smem:$0x3FDB];
	s0 =	simm.s32 @p2 $0x1  }
0x17: {  	s4 =	simm.s32 $0x1BF5;
	[smem:$0x3FB0] =	sst s0  }
0x18: {  	s0 =	sld [smem:$0x3F93];
	_ =	swait.ge [sflag:s4], $0x0  }
0x19: {  	s7 =	sld [smem:$0x3F94]  }
0x1a: {  	s8 =	sadd.s32 $0xFFFFE003, lr  }
0x1b: {  	s9 =	sadd.s32 $0xFFFFFEF7, lr;
	s5 =	simm.s32 $0xFFFFFFFF;
	p2 =	slt.u32 s8, $0xFFFFF086  }
0x1c: {  	p1 =	slt.u32 s9, $0xF7A;
	s5 =	simm.s32 @!p2 $0x0  }
0x1d: {  	s5 =	simm.s32 @p1 $0x1;
	p0 =	seq.s32 s7, s2  }
0x1e: {  	s7 =	smul.u32 @!p0 $0xF7A, s2;
	p2 =	seq.s32 @!p0 s5, $0x0  }
0x1f: {  	s9 =	smul.u32 $0xF7A, s1;
	s8 =	simm.s32 @!p0 $0x1BF5;
	p2 =	por !p2, p0  }
0x20: {  	[sflag:s8] =	ssyncset.s32 @!p0 $0xFFFFF086;
	s6 =	sadd.s32 @!p0 s3, s7;
	s7 =	simm.s32 @!p0 $0x108  }
0x21: {  	s3 =	sadd.s32 s3, s9;
	s6 =	sadd.s32 @!p0 $0x88, s6;
	s7 =	simm.s32 @p2 $0x1082  }
0x22: {  	[simem:s7], [sflag:s8] =	dma.local @!p0 [hbm:s6], $0xF7A  }
0x23: {  	s9 =	sor.u32 $0xD0000000, s2;
	s6 =	simm.s32 $0x108;
	_ =	swait.ge @!p0 [sflag:s8], $0x0  }
0x24: {  	s3 =	sadd.s32 $0x88, s3;
	s6 =	simm.s32 @!p1 $0x1082;
	[sflag:s4] =	ssyncset.s32 $0xFFFFF086  }
0x25: {  	[simem:s6], [sflag:s4] =	dma.local [hbm:s3], $0xF7A  }
0x26: {  	[smem:$0x3F94] =	sst s1;
	(tag) =	ssettag s2;
	_ =	strace s9  }
0x27: {  	s1 =	sld [smem:$0x3FA4]  }
0x28: {  	s2 =	sld [smem:$0x3FA5]  }
0x29: {  	s4 =	sld [smem:$0x3FA7]  }
0x2a: {  	p0 =	seq.s32 s5, $0x0;
	s5 =	sld [smem:$0x3FA8]  }
0x2b: {  	s6 =	sld [smem:$0x3FA9]  }
0x2c: {  	s7 =	sld [smem:$0x3FAA]  }
0x2d: {  	s3 =	simm.s32 $0x108;
	s8 =	sld [smem:$0x3FAB]  }
0x2e: {  	s3 =	simm.s32 @!p0 $0x1082;
	s9 =	sld [smem:$0x3FAC]  }
0x2f: {  	lr =	sadd.s32 s0, s3;
	s0 =	sld [smem:$0x3FA3]  }
0x30: {  	s3 =	sld [smem:$0x3FA6]  }
0x31: {  	[smem:$0x3FAF] =	sst s10  }
0x32: {  	s10 =	sld [smem:$0x3FAD];
	_ =	sdelay $0x3  }
0x33: {  	p0 =	seq.s32 s10, $0x1;
	s10 =	sld [smem:$0x3FAF];
	_ =	sdelay $0x3  }
0x34: {  	[smem:$0x3FAF] =	sst s10  }
0x35: {  	s10 =	sld [smem:$0x3FAE];
	_ =	sdelay $0x3  }
0x36: {  	p1 =	seq.s32 s10, $0x1;
	s10 =	sld [smem:$0x3FAF];
	_ =	sdelay $0x3  }
0x37: {  	[smem:$0x3FAF] =	sst s10  }
0x38: {  	s10 =	sld [smem:$0x3FB0]  }
0x39: {  	_ = 	snop;
	(pc) =	sbr.ind lr, $3  }
0x3a: {  	_ = 	snop  }
0x3b: {  	_ = 	snop  }
0x3c: {  	p2 =	seq.s32 s10, $0x1;
	s10 =	sld [smem:$0x3FAF]  }
0x3d: {  	_ =	shalt  }
0x3e: {  	_ =	shalt  }
0x3f: {  	_ =	shalt  }
0x40: {  	_ =	shalt  }
0x41: {  	_ =	shalt  }
0x42: {  	_ =	shalt  }
0x43: {  	_ =	shalt  }
0x44: {  	_ =	shalt  }
0x45: {  	_ =	shalt  }
0x46: {  	_ =	shalt  }
0x47: {  	_ =	shalt  }
0x48: {  	_ =	shalt  }
0x49: {  	_ =	shalt  }
0x4a: {  	_ =	shalt  }
0x4b: {  	_ =	shalt  }
0x4c: {  	_ =	shalt  }
0x4d: {  	_ =	shalt  }
0x4e: {  	_ =	shalt  }
0x4f: {  	_ =	shalt  }
0x50: {  	_ =	shalt  }
0x51: {  	_ =	shalt  }
0x52: {  	_ =	shalt  }
0x53: {  	_ =	shalt  }
0x54: {  	_ =	shalt  }
0x55: {  	_ =	shalt  }
0x56: {  	_ =	shalt  }
0x57: {  	_ =	shalt  }
0x58: {  	_ =	shalt  }
0x59: {  	_ =	shalt  }
0x5a: {  	_ =	shalt  }
0x5b: {  	_ =	shalt  }
0x5c: {  	_ =	shalt  }
0x5d: {  	_ =	shalt  }
0x5e: {  	_ =	shalt  }
0x5f: {  	_ =	shalt  }
0x60: {  	_ =	shalt  }
0x61: {  	_ =	shalt  }
0x62: {  	_ =	shalt  }
0x63: {  	_ =	shalt  }
0x64: {  	_ =	shalt  }
0x65: {  	_ =	shalt  }
0x66: {  	_ =	shalt  }
0x67: {  	_ =	shalt  }
0x68: {  	_ =	shalt  }
0x69: {  	_ =	shalt  }
0x6a: {  	_ =	shalt  }
0x6b: {  	_ =	shalt  }
0x6c: {  	_ =	shalt  }
0x6d: {  	_ =	shalt  }
0x6e: {  	_ =	shalt  }
0x6f: {  	_ =	shalt  }
0x70: {  	_ =	shalt  }
0x71: {  	_ =	shalt  }
0x72: {  	_ =	shalt  }
0x73: {  	_ =	shalt  }
0x74: {  	_ =	shalt  }
0x75: {  	_ =	shalt  }
0x76: {  	_ =	shalt  }
0x77: {  	_ =	shalt  }
0x78: {  	_ =	shalt  }
0x79: {  	_ =	shalt  }
0x7a: {  	_ =	shalt  }
0x7b: {  	_ =	shalt  }
0x7c: {  	_ =	shalt  }
0x7d: {  	_ =	shalt  }
0x7e: {  	_ =	shalt  }
0x7f: {  	_ =	shalt  }
0x80: {  	_ =	shalt  }
0x81: {  	_ =	shalt  }
0x82: {  	_ =	shalt  }
0x83: {  	_ =	shalt  }
0x84: {  	_ =	shalt  }
0x85: {  	_ =	shalt  }
0x86: {  	_ =	shalt  }
0x87: {  	_ =	shalt  }
.Lfunc_end0:
.L_simem_size_0:
called_computation_lowered:
.L_overlay_start_0:
0x88: {  	s2 =	sld [smem:$0x3FD9]  }
0x89: {  	s3 =	sld [smem:$0x3FFE];
	_ =	sdelay $0x1  }
0x8a: {  	s1 =	srdreg.scid  }
0x8b: {  	s0 =	sand.u32 $0x1, s1  }
0x8c: {  	s16 =	sshll.u32 s0, $0xA;
	s2 =	sadd.s32 s3, s2  }
0x8d: {  	s2 =	sadd.s32 s2, s16  }
0x8e: {  	[smem:$0x3FBB] =	sst s2  }
0x8f: {  	_ = 	snop  }
0x90: {  	(tm) =	ssettm $0x1  }
0x91: {  	s17 =	sld [smem:$0x3FFB];
	_ =	sdelay $0x3  }
0x92: {  	_ =	strace s17  }
0x93: {  	s2 =	sld [smem:$0x3FFC];
	_ =	sdelay $0x3  }
0x94: {  	_ =	strace s2  }
0x95: {  	s2 =	sld [smem:$0x3FFD];
	_ =	sdelay $0x3  }
0x96: {  	_ =	strace s2  }
0x97: {  	_ =	strace $0x8FFFFFFF  }
0x98: {  	s18 =	sld [smem:$0x3FDB];
	_ =	sdelay $0x1  }
0x99: {  	s19 =	simm.s32 $_scs_section_size  }
0x9a: {  	s4 =	simm.s32 $_size__tile_overlayer_lowered;
	s5 =	simm.s32 $_tile_overlayer_lowered  }
0x9b: {  	s22 =	simm.s32 $0x1BFF;
	s21 =	sshll.u32 s5, $0x1;
	s2 =	sadd.s32 s19, s18  }
0x9c: {  	s6 =	simm.s32 $0x0;
	s20 =	sshll.u32 s4, $0x1;
	s4 =	sadd.s32 s21, s2  }
0x9d: {  	[timem:s6], [sflag:s22] =	dma.local [hbm:s4], s20  }
0x9e: {  	_ =	swait.ge [sflag:s22], s20  }
0x9f: {  	s3 =	ssub.s32 $0x0, s20;
	[sflag:s22] =	ssyncset.done $0x0  }
0xa0: {  	[sflag:s22] =	ssyncadd.s32 s3;
	_ =	sdelay $0x1  }
0xa1: {  	s23 =	simm.s32 $0x1B8B  }
0xa2: {  	_ =	swait.ge [sflag:s23], $0x1  }
0xa3: {  	[sflag:s23] =	ssyncset.done $0x0  }
0xa4: {  	s25 =	simm.s32 $0x1B8E;
	s24 =	sld [smem:$0x3FFE];
	[sflag:s23] =	ssyncadd.s32 $0xFFFFFFFF  }
0xa5: {  	s26 =	simm.s32 $execute0_lowered;
	[smem:$0x3FD2] =	sst s25  }
0xa6: {  	s4 =	sshll.u32 s26, $0x1;
	_ =	strace $0x80000046;
	[dreg:$0x1] =	wrdreg $0xFFFFFFFF  }
0xa7: {  	s28 =	simm.s32 $_size_execute0_lowered;
	s2 =	sadd.s32 s2, s4;
	[dreg:$0x0] =	wrdreg $0x0  }
0xa8: {  	s4 =	sshll.u32 s28, $0x1;
	[dreg:$0x2] =	wrdreg s2  }
0xa9: {  	[dreg:$0x3] =	wrdreg s4  }
0xaa: {  	[dreg:$0x4] =	wrdreg $0xC0  }
0xab: {  	_ =	task [dreg:s6], $0x5FFFF  }
0xac: {  	[dreg:$0x1] =	wrdreg $0xFFFFFFFF  }
0xad: {  	[dreg:$0x0] =	wrdreg $0x60  }
0xae: {  	[dreg:$0x2] =	wrdreg s24  }
0xaf: {  	[dreg:$0x3] =	wrdreg $0x5A800  }
0xb0: {  	[dreg:$0x4] =	wrdreg $0x9  }
0xb1: {  	_ =	task.clear_ibuf [dreg:s6], $0x5FFFF;
	_ =	strace $0x90000046  }
0xb2: {  	s29 =	simm.s32 $0x9;
	_ =	strace $0x80000048  }
0xb3: {  	_ =	swait.ge [sflag:s29], $0x1  }
0xb4: {  	[sflag:s29] =	ssyncadd.s32 $0xFFFFFFFF  }
0xb5: {  	_ =	strace $0x90000048  }
0xb6: {  	_ =	sfence  }
0xb7: {  	s30 =	sld [smem:$0x0];
	_ =	sdelay $0x2  }
0xb8: {  	s31 =	sshll.u32 s1, $0xD;
	s1 =	sshrl.u32 s1, $0x2  }
0xb9: {  	s3 =	sand.u32 $0x4000, s31;
	s1 =	sadd.s32 s1, s30  }
0xba: {  	s0 =	sor.u32 s3, s0;
	s1 =	sshll.u32 s1, $0x11  }
0xbb: {  	s0 =	sor.u32 s1, s0  }
0xbc: {  	s0 =	sadd.s32 $0x8F2B, s0  }
0xbd: {  	[sflag:s0] =	ssyncadd.remote.s32 $0x1  }
0xbe: {  	_ =	sfence.sel $0xFFFF  }
0xbf: {  	[dreg:$0x0] =	wrdreg $0xFFFFFFFF;
	(pc) =	sbr.abs _section_cstart, $3  }
0xc0: {  	[dreg:$0x1] =	wrdreg $0xFFFFFFFF  }
0xc1: {  	_ =	task.clear_ibuf [dreg:s6], $0x2FFFF;
	_ =	strace $0x9FFFFFFF  }
0xc2: {  	(tm) =	ssettm $0x7FFFFFFF  }
0xc3: {  	_ =	shalt  }
tec
execute0_lowered:
.L_overlay_start_1:
0x0: {  	(tag) =	ssettag $0x1  }
0x1: {  	s4 =	rddreg [dreg:$0x0]  }
0x2: {  	s2 =	rddreg [dreg:$0x1]  }
0x3: {  	s0 =	rddreg [dreg:$0x2]  }
0x4: {  	s5 =	srdreg.scid;
	s1 =	stileid.u32  }
0x5: {  	s3 =	simm.s32 $0x0;
	s11 =	simm.s32 $0x1;
	s12 =	simm.s32 $0x10  }
0x6: {  	s13 =	simm.s32 $0x20;
	s14 =	simm.s32 $0x70;
	s15 =	simm.s32 $0x5A00  }
0x7: {  	s16 =	simm.s32 $0x0;
	s5 =	sand.u32 $0x1, s5;
	s7 =	smul.u32 $0x500, s1  }
0x8: {  	s6 =	sshll.u32 s1, $0x1;
	[smem:$0x7FF] =	sst s3;
	s29 =	smul.u32 $0xA00, s1  }
0x9: {  	s31 =	sshll.u32 s1, $0x6;
	s6 =	sor.u32 s5, s6;
	_ =	strace $0x80000047  }
0xa: {  	s8 =	sshll.u32 s5, $0x7;
	s5 =	ssub.s32 $0x2, s5;
	s6 =	smul.u32 $0xB40, s6  }
0xb: {  	s7 =	sor.u32 s8, s7;
	s9 =	sshrl.u32 s5, $0x1;
	s30 =	sshrl.u32 s29, $0x2  }
0xc: {  	s8 =	simm.s32 $0x2;
	s7 =	sshrl.u32 s7, $0x3;
	s9 =	ssub.s32 s5, s9  }
0xd: {  	s10 =	sadd.s32 s30, s2;
	s6 =	sadd.s32 s6, s4;
	s7 =	sadd.s32 s7, s4  }
0xe: {  	s10 =	sshrl.u32 s10, $0x3;
	s4 =	sadd.s32 $0x4000, s6;
	s5 =	sadd.s32 $0x3600, s7  }
0xf: {  	v0 =	vimm.f32 $1.000000000e+00;
	s6 =	sadd.s32 $0x1A800, s7;
	s7 =	smax.u32 s9, $0x1;
	s9 =	sor.u32 $0x1C02, s31  }
.LBB2_1:
0x10: {  	[tilespmem:s3], [sflag:$0x2] =	stream.linear.gather [hbm4b:s4+s3], $0x5A00, $0x38;
	[tilespmem:$0x5D00] =	vst v63  }
0x11: {  	_ =	swait.ge [sflag:s8], $0x5A00  }
0x12: {  	[sflag:s8] =	ssyncset.done $0x0  }
0x13: {  	[sflag:s8] =	ssyncadd.s32 $0xFFFFA600  }
0x14: {  	[tilespmem:$0x5A00] =	vst v0  }
0x15: {  	[tilespmem:$0x5A10] =	vst v0  }
0x16: {  	[tilespmem:$0x5A20] =	vst v0  }
0x17: {  	[tilespmem:$0x5A30] =	vst v0  }
0x18: {  	[tilespmem:$0x5A40] =	vst v0  }
0x19: {  	[tilespmem:$0x5A50] =	vst v0  }
0x1a: {  	[tilespmem:$0x5A60] =	vst v0  }
0x1b: {  	[spmem:s10@s12], [sflag:s9] =	dma.strided [hbm:s5@s13], $0x50, s11, $0x10   }
0x1c: {  	_ =	swait.ge [sflag:s8], $0x50  }
0x1d: {  	[sflag:s8] =	ssyncset.done $0x0  }
0x1e: {  	[sflag:s8] =	ssyncadd.s32 $0xFFFFFFB0  }
0x1f: {  	s17 =	simm.s32 $0x80;
	[bflag:$0x0] =	sbarrier.arrive $0xFFFF  }
0x20: {  	[spmem:s2] =	stream.indirect.scatter.add.f32 [tilespmem:s15], [sflag:$0x1], $0x1, s17, s14, $0xb8;
	[tilespmem:$0x5D00] =	vst v63  }
0x21: {  	s22 =	simm.s32 $0x180  }
0x22: {  	[spmem:s2] =	stream.indirect.scatter.add.f32 [tilespmem:s15], [sflag:$0x1], $0x1, s22, s14, $0xb8;
	[tilespmem:$0x5D00] =	vst v63  }
0x23: {  	s23 =	simm.s32 $0x280  }
0x24: {  	[spmem:s2] =	stream.indirect.scatter.add.f32 [tilespmem:s15], [sflag:$0x1], $0x1, s23, s14, $0xb8;
	[tilespmem:$0x5D00] =	vst v63  }
0x25: {  	s24 =	simm.s32 $0x380  }
0x26: {  	[spmem:s2] =	stream.indirect.scatter.add.f32 [tilespmem:s15], [sflag:$0x1], $0x1, s24, s14, $0xb8;
	[tilespmem:$0x5D00] =	vst v63  }
0x27: {  	s25 =	simm.s32 $0x480  }
0x28: {  	[spmem:s2] =	stream.indirect.scatter.add.f32 [tilespmem:s15], [sflag:$0x1], $0x1, s25, s14, $0xb8;
	[tilespmem:$0x5D00] =	vst v63  }
0x29: {  	s26 =	simm.s32 $0x580  }
0x2a: {  	[spmem:s2] =	stream.indirect.scatter.add.f32 [tilespmem:s15], [sflag:$0x1], $0x1, s26, s14, $0xb8;
	[tilespmem:$0x5D00] =	vst v63  }
0x2b: {  	s28 =	simm.s32 $0x680  }
0x2c: {  	[spmem:s2] =	stream.indirect.scatter.add.f32 [tilespmem:s15], [sflag:$0x1], $0x1, s28, s14, $0xb8;
	[tilespmem:$0x5D00] =	vst v63  }
0x2d: {  	s29 =	simm.s32 $0x780  }
0x2e: {  	[spmem:s2] =	stream.indirect.scatter.add.f32 [tilespmem:s15], [sflag:$0x1], $0x1, s29, s14, $0xb8;
	[tilespmem:$0x5D00] =	vst v63  }
0x2f: {  	s30 =	simm.s32 $0x880  }
0x30: {  	[spmem:s2] =	stream.indirect.scatter.add.f32 [tilespmem:s15], [sflag:$0x1], $0x1, s30, s14, $0xb8;
	[tilespmem:$0x5D00] =	vst v63  }
0x31: {  	s31 =	simm.s32 $0x980  }
0x32: {  	[spmem:s2] =	stream.indirect.scatter.add.f32 [tilespmem:s15], [sflag:$0x1], $0x1, s31, s14, $0xb8;
	[tilespmem:$0x5D00] =	vst v63  }
0x33: {  	_ =	swait.ge [sflag:s11], $0x70  }
0x34: {  	[sflag:s11] =	ssyncset.done $0x0  }
0x35: {  	[sflag:s11] =	ssyncadd.s32 $0xFFFFFF90  }
0x36: {  	_ =	swait.ge [sflag:s11], $0x70  }
0x37: {  	[sflag:s11] =	ssyncset.done $0x0  }
0x38: {  	[sflag:s11] =	ssyncadd.s32 $0xFFFFFF90  }
0x39: {  	_ =	swait.ge [sflag:s11], $0x70  }
0x3a: {  	[sflag:s11] =	ssyncset.done $0x0  }
0x3b: {  	[sflag:s11] =	ssyncadd.s32 $0xFFFFFF90  }
0x3c: {  	_ =	swait.ge [sflag:s11], $0x70  }
0x3d: {  	[sflag:s11] =	ssyncset.done $0x0  }
0x3e: {  	[sflag:s11] =	ssyncadd.s32 $0xFFFFFF90  }
0x3f: {  	_ =	swait.ge [sflag:s11], $0x70  }
0x40: {  	[sflag:s11] =	ssyncset.done $0x0  }
0x41: {  	[sflag:s11] =	ssyncadd.s32 $0xFFFFFF90  }
0x42: {  	_ =	swait.ge [sflag:s11], $0x70  }
0x43: {  	[sflag:s11] =	ssyncset.done $0x0  }
0x44: {  	[sflag:s11] =	ssyncadd.s32 $0xFFFFFF90  }
0x45: {  	_ =	swait.ge [sflag:s11], $0x70  }
0x46: {  	[sflag:s11] =	ssyncset.done $0x0  }
0x47: {  	[sflag:s11] =	ssyncadd.s32 $0xFFFFFF90  }
0x48: {  	_ =	swait.ge [sflag:s11], $0x70  }
0x49: {  	[sflag:s11] =	ssyncset.done $0x0  }
0x4a: {  	[sflag:s11] =	ssyncadd.s32 $0xFFFFFF90  }
0x4b: {  	_ =	swait.ge [sflag:s11], $0x70  }
0x4c: {  	[sflag:s11] =	ssyncset.done $0x0  }
0x4d: {  	[sflag:s11] =	ssyncadd.s32 $0xFFFFFF90  }
0x4e: {  	_ =	swait.ge [sflag:s11], $0x70  }
0x4f: {  	s20 =	simm.s32 $0x5000;
	s19 =	simm.s32 $0xA00;
	[sflag:s11] =	ssyncset.done $0x0  }
.LBB2_2:
0x50: {  	s21 =	sadd.s32 $0x80, s19  }
0x51: {  	[sflag:s11] =	ssyncadd.s32 $0xFFFFFF90;
	s18 =	smov.u32 s20;
	s17 =	sadd.s32 $0x2800, s20  }
0x52: {  	[spmem:s2] =	stream.indirect.scatter.add.f32 [tilespmem:s15], [sflag:$0x1], $0x1, s21, s14, $0xb8;
	[tilespmem:$0x5D00] =	vst v63  }
0x53: {  	p0 =	sne.s32 s20, $0x14000;
	s20 =	sadd.s32 $0x180, s19  }
0x54: {  	[spmem:s2] =	stream.indirect.scatter.add.f32 [tilespmem:s15], [sflag:$0x1], $0x1, s20, s14, $0xb8;
	[tilespmem:$0x5D00] =	vst v63  }
0x55: {  	s20 =	sadd.s32 $0x280, s19  }
0x56: {  	[spmem:s2] =	stream.indirect.scatter.add.f32 [tilespmem:s15], [sflag:$0x1], $0x1, s20, s14, $0xb8;
	[tilespmem:$0x5D00] =	vst v63  }
0x57: {  	s20 =	sadd.s32 $0x380, s19  }
0x58: {  	[spmem:s2] =	stream.indirect.scatter.add.f32 [tilespmem:s15], [sflag:$0x1], $0x1, s20, s14, $0xb8;
	[tilespmem:$0x5D00] =	vst v63  }
0x59: {  	s20 =	sadd.s32 $0x480, s19  }
0x5a: {  	[spmem:s2] =	stream.indirect.scatter.add.f32 [tilespmem:s15], [sflag:$0x1], $0x1, s20, s14, $0xb8;
	[tilespmem:$0x5D00] =	vst v63  }
0x5b: {  	s20 =	sadd.s32 $0x580, s19  }
0x5c: {  	[spmem:s2] =	stream.indirect.scatter.add.f32 [tilespmem:s15], [sflag:$0x1], $0x1, s20, s14, $0xb8;
	[tilespmem:$0x5D00] =	vst v63  }
0x5d: {  	s20 =	sadd.s32 $0x680, s19  }
0x5e: {  	[spmem:s2] =	stream.indirect.scatter.add.f32 [tilespmem:s15], [sflag:$0x1], $0x1, s20, s14, $0xb8;
	[tilespmem:$0x5D00] =	vst v63  }
0x5f: {  	s20 =	sadd.s32 $0x780, s19  }
0x60: {  	[spmem:s2] =	stream.indirect.scatter.add.f32 [tilespmem:s15], [sflag:$0x1], $0x1, s20, s14, $0xb8;
	[tilespmem:$0x5D00] =	vst v63  }
0x61: {  	s20 =	sadd.s32 $0x880, s19  }
0x62: {  	[spmem:s2] =	stream.indirect.scatter.add.f32 [tilespmem:s15], [sflag:$0x1], $0x1, s20, s14, $0xb8;
	[tilespmem:$0x5D00] =	vst v63  }
0x63: {  	s19 =	sadd.s32 $0x980, s19  }
0x64: {  	[spmem:s2] =	stream.indirect.scatter.add.f32 [tilespmem:s15], [sflag:$0x1], $0x1, s19, s14, $0xb8;
	[tilespmem:$0x5D00] =	vst v63  }
0x65: {  	_ =	swait.ge [sflag:s11], $0x70  }
0x66: {  	[sflag:s11] =	ssyncset.done $0x0  }
0x67: {  	[sflag:s11] =	ssyncadd.s32 $0xFFFFFF90  }
0x68: {  	_ =	swait.ge [sflag:s11], $0x70  }
0x69: {  	[sflag:s11] =	ssyncset.done $0x0  }
0x6a: {  	[sflag:s11] =	ssyncadd.s32 $0xFFFFFF90  }
0x6b: {  	_ =	swait.ge [sflag:s11], $0x70  }
0x6c: {  	[sflag:s11] =	ssyncset.done $0x0  }
0x6d: {  	[sflag:s11] =	ssyncadd.s32 $0xFFFFFF90  }
0x6e: {  	_ =	swait.ge [sflag:s11], $0x70  }
0x6f: {  	[sflag:s11] =	ssyncset.done $0x0  }
0x70: {  	[sflag:s11] =	ssyncadd.s32 $0xFFFFFF90  }
0x71: {  	_ =	swait.ge [sflag:s11], $0x70  }
0x72: {  	[sflag:s11] =	ssyncset.done $0x0  }
0x73: {  	[sflag:s11] =	ssyncadd.s32 $0xFFFFFF90  }
0x74: {  	_ =	swait.ge [sflag:s11], $0x70  }
0x75: {  	[sflag:s11] =	ssyncset.done $0x0  }
0x76: {  	[sflag:s11] =	ssyncadd.s32 $0xFFFFFF90  }
0x77: {  	_ =	swait.ge [sflag:s11], $0x70  }
0x78: {  	[sflag:s11] =	ssyncset.done $0x0  }
0x79: {  	[sflag:s11] =	ssyncadd.s32 $0xFFFFFF90  }
0x7a: {  	_ =	swait.ge [sflag:s11], $0x70  }
0x7b: {  	[sflag:s11] =	ssyncset.done $0x0  }
0x7c: {  	[sflag:s11] =	ssyncadd.s32 $0xFFFFFF90  }
.Ltmp0:
0x7d: {  	_ =	swait.ge [sflag:s11], $0x70;
	(pc) =	sbr.rel @p0 .LBB2_2-.Ltmp0, $4  }
0x7e: {  	[sflag:s11] =	ssyncset.done $0x0  }
0x7f: {  	[sflag:s11] =	ssyncadd.s32 $0xFFFFFF90  }
0x80: {  	_ =	swait.ge [sflag:s11], $0x70  }
0x81: {  	s20 =	smov.u32 s17;
	s19 =	sshra.s32 s18, $0x2;
	[sflag:s11] =	ssyncset.done $0x0  }
0x82: {  	s17 =	sadd.s32 $0x80, s19;
	[sflag:s11] =	ssyncadd.s32 $0xFFFFFF90  }
0x83: {  	[spmem:s2] =	stream.indirect.scatter.add.f32 [tilespmem:s15], [sflag:$0x1], $0x1, s17, s14, $0xb8;
	[tilespmem:$0x5D00] =	vst v63  }
0x84: {  	s22 =	sadd.s32 $0x180, s19  }
0x85: {  	[spmem:s2] =	stream.indirect.scatter.add.f32 [tilespmem:s15], [sflag:$0x1], $0x1, s22, s14, $0xb8;
	[tilespmem:$0x5D00] =	vst v63  }
0x86: {  	s23 =	sadd.s32 $0x280, s19  }
0x87: {  	[spmem:s2] =	stream.indirect.scatter.add.f32 [tilespmem:s15], [sflag:$0x1], $0x1, s23, s14, $0xb8;
	[tilespmem:$0x5D00] =	vst v63  }
0x88: {  	s24 =	sadd.s32 $0x380, s19  }
0x89: {  	[spmem:s2] =	stream.indirect.scatter.add.f32 [tilespmem:s15], [sflag:$0x1], $0x1, s24, s14, $0xb8;
	[tilespmem:$0x5D00] =	vst v63  }
0x8a: {  	s25 =	sadd.s32 $0x480, s19  }
0x8b: {  	[spmem:s2] =	stream.indirect.scatter.add.f32 [tilespmem:s15], [sflag:$0x1], $0x1, s25, s14, $0xb8;
	[tilespmem:$0x5D00] =	vst v63  }
0x8c: {  	s26 =	sadd.s32 $0x580, s19  }
0x8d: {  	[spmem:s2] =	stream.indirect.scatter.add.f32 [tilespmem:s15], [sflag:$0x1], $0x1, s26, s14, $0xb8;
	[tilespmem:$0x5D00] =	vst v63  }
0x8e: {  	s28 =	sadd.s32 $0x680, s19  }
0x8f: {  	[spmem:s2] =	stream.indirect.scatter.add.f32 [tilespmem:s15], [sflag:$0x1], $0x1, s28, s14, $0xb8;
	[tilespmem:$0x5D00] =	vst v63  }
0x90: {  	s29 =	sadd.s32 $0x780, s19  }
0x91: {  	[spmem:s2] =	stream.indirect.scatter.add.f32 [tilespmem:s15], [sflag:$0x1], $0x1, s29, s14, $0xb8;
	[tilespmem:$0x5D00] =	vst v63  }
0x92: {  	s30 =	sadd.s32 $0x880, s19  }
0x93: {  	[spmem:s2] =	stream.indirect.scatter.add.f32 [tilespmem:s15], [sflag:$0x1], $0x1, s30, s14, $0xb8;
	[tilespmem:$0x5D00] =	vst v63  }
0x94: {  	s31 =	sadd.s32 $0x980, s19  }
0x95: {  	[spmem:s2] =	stream.indirect.scatter.add.f32 [tilespmem:s15], [sflag:$0x1], $0x1, s31, s14, $0xb8;
	[tilespmem:$0x5D00] =	vst v63  }
0x96: {  	_ =	swait.ge [sflag:s11], $0x70  }
0x97: {  	[sflag:s11] =	ssyncset.done $0x0  }
0x98: {  	[sflag:s11] =	ssyncadd.s32 $0xFFFFFF90  }
0x99: {  	_ =	swait.ge [sflag:s11], $0x70  }
0x9a: {  	[sflag:s11] =	ssyncset.done $0x0  }
0x9b: {  	[sflag:s11] =	ssyncadd.s32 $0xFFFFFF90  }
0x9c: {  	_ =	swait.ge [sflag:s11], $0x70  }
0x9d: {  	[sflag:s11] =	ssyncset.done $0x0  }
0x9e: {  	[sflag:s11] =	ssyncadd.s32 $0xFFFFFF90  }
0x9f: {  	_ =	swait.ge [sflag:s11], $0x70  }
0xa0: {  	[sflag:s11] =	ssyncset.done $0x0  }
0xa1: {  	[sflag:s11] =	ssyncadd.s32 $0xFFFFFF90  }
0xa2: {  	_ =	swait.ge [sflag:s11], $0x70  }
0xa3: {  	[sflag:s11] =	ssyncset.done $0x0  }
0xa4: {  	[sflag:s11] =	ssyncadd.s32 $0xFFFFFF90  }
0xa5: {  	_ =	swait.ge [sflag:s11], $0x70  }
0xa6: {  	[sflag:s11] =	ssyncset.done $0x0  }
0xa7: {  	[sflag:s11] =	ssyncadd.s32 $0xFFFFFF90  }
0xa8: {  	_ =	swait.ge [sflag:s11], $0x70  }
0xa9: {  	[sflag:s11] =	ssyncset.done $0x0  }
0xaa: {  	[sflag:s11] =	ssyncadd.s32 $0xFFFFFF90  }
0xab: {  	_ =	swait.ge [sflag:s11], $0x70  }
0xac: {  	[sflag:s11] =	ssyncset.done $0x0  }
0xad: {  	[sflag:s11] =	ssyncadd.s32 $0xFFFFFF90  }
0xae: {  	_ =	swait.ge [sflag:s11], $0x70  }
0xaf: {  	[sflag:s11] =	ssyncset.done $0x0  }
0xb0: {  	[sflag:s11] =	ssyncadd.s32 $0xFFFFFF90  }
0xb1: {  	_ =	swait.ge [sflag:s11], $0x70  }
0xb2: {  	s16 =	sadd.s32 $0x1, s16;
	[sflag:s11] =	ssyncset.done $0x0  }
0xb3: {  	p0 =	sne.s32 s16, s7;
	[sflag:s11] =	ssyncadd.s32 $0xFFFFFF90  }
.Ltmp1:
0xb4: {  	[bflag:$0x0] =	sbarrier.arrive $0xFFFF;
	(pc) =	sbr.rel @p0 .LBB2_1-.Ltmp1, $4  }
0xb5: {  	[hbm:s6@s13], [sflag:s9] =	dma.strided [spmem:s10@s12], $0x50, s11, $0x10   }
0xb6: {  	_ =	swait.ge [sflag:s8], $0x50  }
0xb7: {  	[sflag:s8] =	ssyncset.done $0x0  }
0xb8: {  	[sflag:s8] =	ssyncadd.s32 $0xFFFFFFB0  }
0xb9: {  	_ =	sfence.sel $0x180000  }
0xba: {  	[bflag:$0x0] =	sbarrier.arrive $0xFFFF  }
0xbb: {  	p0 =	sne.s32 s1, $0x0;
	_ =	strace $0x90000047  }
0xbc: {  	s0 =	sadd.s32 @!p0 $0x100000, s0;
	[bflag:$0x2] =	sbarrier.arrive $0xFFFF  }
0xbd: {  	[sflag:s0] =	ssyncadd.tile.s32 @!p0 $0x1;
	_ =	shalt  }
.Lfunc_end2:
_tile_overlayer_lowered:
.L_overlay_start_2:
0xbe: {  	(tag) =	ssettag $0x2  }
0xbf: {  	s0 =	rddreg [dreg:$0x0];
	s2 =	stileid.u32  }
0xc0: {  	s1 =	rddreg [dreg:$0x1];
	p0 =	sne.s32 s2, $0x0  }
0xc1: {  	s3 =	rddreg [dreg:$0x2];
	[bflag:$0x3] =	sbarrier.arrive $0xFFFF;
	s2 =	simm.s32 @!p0 $0x1C02  }
0xc2: {  	[timem:s3], [sflag:s2] =	dma.local @!p0 [hbm:s0], s1  }
0xc3: {  	s0 =	simm.s32 @!p0 $0x2  }
0xc4: {  	_ =	swait.ge @!p0 [sflag:s0], s1  }
0xc5: {  	s1 =	ssub.s32 @!p0 $0x0, s1;
	[sflag:s0] =	ssyncset.done @!p0 $0x0  }
0xc6: {  	[sflag:s0] =	ssyncadd.s32 @!p0 s1  }
0xc7: {  	[bflag:$0x3] =	sbarrier.arrive $0xFFFF  }
0xc8: {  	_ =	shalt  }

</sc_bundles>
